<compile_context>
chip_gen: v7x
topology: tpu7x:2x2x1
jax: 0.10.2.dev20260603
libtpu: 0.0.44.dev20260713+nightly
codegen_flags: <defaults>
</compile_context>

<pallas_src>
import functools

import jax
import jax.numpy as jnp
from jax import lax
from jax.experimental import pallas as pl
from jax.experimental.pallas import tpu as pltpu
from jax.experimental.pallas import tpu_sc as plsc

V = 1000000
D = 32
B = 16384
L = 200
NC = 2
NS = 16
NW = NC * NS
UNIT = 512
N_UNITS = B * L // UNIT
PER_W = N_UNITS // NW
ROUNDS = PER_W // 2


def _sc_kernel():
    mesh = plsc.VectorSubcoreMesh(core_axis_name="c", subcore_axis_name="s")

    scratch = (
        [pltpu.VMEM((UNIT,), jnp.int32) for _ in range(2)]
        + [pltpu.VMEM((UNIT, D), jnp.float32) for _ in range(2)]
        + [pltpu.VMEM((4, 4, 8, 129), jnp.float32) for _ in range(2)]
        + [pltpu.SemaphoreType.DMA for _ in range(4)]
    )

    @functools.partial(
        pl.kernel,
        mesh=mesh,
        out_type=jax.ShapeDtypeStruct((L, D // 8, B // 128, 8, 128), jnp.float32),
        scratch_types=scratch,
        compiler_params=pltpu.CompilerParams(
            use_tc_tiling_on_sc=False, needs_layout_passes=False),
    )
    def sc_gather(q_hbm, table_hbm, out_hbm, idx0, idx1, r0, r1, t0, t1,
                  gsem0, gsem1, wsem0, wsem1):
        idx_v = (idx0, idx1)
        r_v = (r0, r1)
        t_v = (t0, t1)
        gsem = (gsem0, gsem1)
        wsem = (wsem0, wsem1)

        wid = lax.axis_index("s") * NC + lax.axis_index("c")
        u_base = wid * PER_W
        ramp = lax.iota(jnp.int32, 16)

        def idx_copy(p, u):
            return pltpu.make_async_copy(
                q_hbm.at[pl.ds(u * UNIT, UNIT)], idx_v[p], gsem[p])

        def gather_copy(p):
            return pltpu.make_async_copy(table_hbm.at[idx_v[p]], r_v[p], gsem[p])

        def out_copy(p, u):
            rt = u // 256
            rem = u % 256
            ct = rem // 2
            h = rem % 2
            l0 = rt * 8 + h * 4
            return pltpu.make_async_copy(
                t_v[p].at[:, :, :, pl.ds(0, 128)],
                out_hbm.at[pl.ds(l0, 4), :, ct], wsem[p])

        tr_vec0 = ramp // 8
        dr_vec0 = lax.rem(ramp, 8)
        tr_vec1 = (ramp + 16) // 8
        dr_vec1 = lax.rem(ramp + 16, 8)

        def transpose(p):
            def tl(lrh, carry):
                l_s = jnp.broadcast_to(lrh, (16,))
                base_row = lrh * 128

                def tb(bcj, carry2):
                    for m in range(8):
                        bc = bcj * 8 + m
                        row = base_row + bc
                        bc_s = jnp.broadcast_to(bc, (16,))
                        v0 = r_v[p][row, pl.ds(0, 16)]
                        plsc.store_scatter(
                            t_v[p], [l_s, tr_vec0, dr_vec0, bc_s], v0)
                        v1 = r_v[p][row, pl.ds(16, 16)]
                        plsc.store_scatter(
                            t_v[p], [l_s, tr_vec1, dr_vec1, bc_s], v1)
                    return carry2

                lax.fori_loop(0, 16, tb, 0)
                return carry

            lax.fori_loop(0, 4, tl, 0)

        idx_copy(0, u_base).start()
        idx_copy(0, u_base).wait()
        gather_copy(0).start()
        idx_copy(1, u_base + 1).start()
        idx_copy(1, u_base + 1).wait()
        gather_copy(1).start()

        def body(rnd, carry):
            ua = u_base + 2 * rnd
            ub = ua + 1
            gather_copy(0).wait()

            @pl.when(rnd > 0)
            def _():
                out_copy(0, ua - 2).wait()

            transpose(0)
            out_copy(0, ua).start()

            @pl.when(rnd + 1 < ROUNDS)
            def _():
                idx_copy(0, ua + 2).start()
                idx_copy(0, ua + 2).wait()
                gather_copy(0).start()

            gather_copy(1).wait()

            @pl.when(rnd > 0)
            def _():
                out_copy(1, ub - 2).wait()

            transpose(1)
            out_copy(1, ub).start()

            @pl.when(rnd + 1 < ROUNDS)
            def _():
                idx_copy(1, ub + 2).start()
                idx_copy(1, ub + 2).wait()
                gather_copy(1).start()

            return carry

        lax.fori_loop(0, ROUNDS, body, 0)

        last_a = u_base + 2 * (ROUNDS - 1)
        out_copy(0, last_a).wait()
        out_copy(1, last_a + 1).wait()

    return sc_gather


def kernel(sentence, table):
    q = sentence.astype(jnp.int32).reshape(128, 128, 25, 8).transpose(2, 0, 3, 1)
    q_flat = q.reshape(B * L)
    out5 = _sc_kernel()(q_flat, table)
    return out5.transpose(2, 4, 0, 1, 3).reshape(B, L, D)

# --- scband reference (transcript-rebuilt; emitter-appended) ---
"""Pipeline reference for scband-embedding-model-38302518345971 (READ-ONLY COPY).

The authoritative reference and input builder live on the scoring server;
editing this copy changes nothing except your own understanding.
"""

import jax, jax.numpy as jnp
import numpy as np

V = 1000000
D = 32
B = 16384
L = 200

def setup_inputs(seed: int = 0) -> dict:
    key = jax.random.key(seed)
    k_idx, k_tab = jax.random.split(key)
    sentence = jax.random.randint(k_idx, (B, L), 0, V, dtype=jnp.int64)
    # nn.Embedding default init: N(0, 1)
    table = jax.random.normal(k_tab, (V, D), dtype=jnp.float32)
    return {"sentence": sentence, "table": table}

def reference(sentence, table):
    # EmbeddingModel.forward: return self.embedding(sentence)
    return jnp.take(table, sentence, axis=0)

if __name__ == "__main__":
    import jax
    _d = setup_inputs()
    print(jax.jit(kernel)(*tuple(_d.values())))

</pallas_src>

<mosaic_0001>
#map = affine_map<(d0, d1) -> (0)>
#map1 = affine_map<(d0, d1) -> (0, 0)>
#map2 = affine_map<(d0, d1) -> (0, 0, 0, 0, 0)>
module attributes {stable_mosaic.version = 14 : i64} {
  func.func @sc_gather(%arg0: i32, %arg1: i32, %arg2: memref<3276800xi32, #tpu.memory_space<hbm>>, %arg3: memref<1000000x32xf32, #tpu.memory_space<hbm>>, %arg4: memref<200x4x128x8x128xf32, #tpu.memory_space<hbm>>, %arg5: memref<512xi32, #tpu.memory_space<vmem>>, %arg6: memref<512xi32, #tpu.memory_space<vmem>>, %arg7: memref<512x32xf32, #tpu.memory_space<vmem>>, %arg8: memref<512x32xf32, #tpu.memory_space<vmem>>, %arg9: memref<4x4x8x129xf32, #tpu.memory_space<vmem>>, %arg10: memref<4x4x8x129xf32, #tpu.memory_space<vmem>>, %arg11: memref<!tpu.dma_semaphore, #tpu.memory_space<semaphore_mem>>, %arg12: memref<!tpu.dma_semaphore, #tpu.memory_space<semaphore_mem>>, %arg13: memref<!tpu.dma_semaphore, #tpu.memory_space<semaphore_mem>>, %arg14: memref<!tpu.dma_semaphore, #tpu.memory_space<semaphore_mem>>) attributes {dimension_semantics = [#tpu.dimension_semantics<core_parallel>, #tpu.dimension_semantics<subcore_parallel>], iteration_bounds = array<i64: 2, 16>, scalar_prefetch = 0 : i64, scratch_operands = 10 : i64, tpu.core_type = #tpu.core_type<sc_vector_subcore>, window_params = [{transform_indices = #map}, {transform_indices = #map1}, {transform_indices = #map2}]} {
    %mul3A = arith.constant 2 : i32
    %mul3A_0 = arith.muli %arg1, %mul3A : i32
    %add3A = arith.addi %mul3A_0, %arg0 : i32
    %mul3A_1 = arith.constant 200 : i32
    %mul3A_2 = arith.muli %add3A, %mul3A_1 : i32
    %iota3A = tpu.iota {dimensions = array<i32: 0>} : vector<16xi32>
    %jit3A = arith.constant 8 : i32
    %div3A = vector.broadcast %jit3A : i32 to vector<16xi32>
    %div3A_3 = arith.divsi %iota3A, %div3A : vector<16xi32>
    %sign3A = arith.constant 0 : i32
    %sign3A_4 = vector.broadcast %sign3A : i32 to vector<16xi32>
    %sign3A_5 = arith.cmpi sgt, %iota3A, %sign3A_4 : vector<16xi32>
    %sign3A_6 = arith.extui %sign3A_5 : vector<16xi1> to vector<16xi32>
    %sign3A_7 = arith.constant 0 : i32
    %sign3A_8 = vector.broadcast %sign3A_7 : i32 to vector<16xi32>
    %sign3A_9 = arith.cmpi slt, %iota3A, %sign3A_8 : vector<16xi32>
    %sign3A_10 = arith.extui %sign3A_9 : vector<16xi1> to vector<16xi32>
    %sign3A_11 = arith.subi %sign3A_6, %sign3A_10 : vector<16xi32>
    %sign3A_12 = arith.constant 0 : i32
    %sign3A_13 = arith.cmpi sgt, %jit3A, %sign3A_12 : i32
    %sign3A_14 = arith.extui %sign3A_13 : i1 to i32
    %sign3A_15 = arith.constant 0 : i32
    %sign3A_16 = arith.cmpi slt, %jit3A, %sign3A_15 : i32
    %sign3A_17 = arith.extui %sign3A_16 : i1 to i32
    %sign3A_18 = arith.subi %sign3A_14, %sign3A_17 : i32
    %ne3A = vector.broadcast %sign3A_18 : i32 to vector<16xi32>
    %ne3A_19 = arith.cmpi ne, %sign3A_11, %ne3A : vector<16xi32>
    %rem3A = vector.broadcast %jit3A : i32 to vector<16xi32>
    %rem3A_20 = arith.remsi %iota3A, %rem3A : vector<16xi32>
    %ne3A_21 = arith.constant 0 : i32
    %ne3A_22 = vector.broadcast %ne3A_21 : i32 to vector<16xi32>
    %ne3A_23 = arith.cmpi ne, %rem3A_20, %ne3A_22 : vector<16xi32>
    %and3A = arith.andi %ne3A_19, %ne3A_23 : vector<16xi1>
    %sub3A = arith.constant 1 : i32
    %sub3A_24 = vector.broadcast %sub3A : i32 to vector<16xi32>
    %sub3A_25 = arith.subi %div3A_3, %sub3A_24 : vector<16xi32>
    %select_n3A = arith.select %and3A, %sub3A_25, %div3A_3 : vector<16xi1>, vector<16xi32>
    %rem3A_26 = arith.constant 8 : i32
    %rem3A_27 = vector.broadcast %rem3A_26 : i32 to vector<16xi32>
    %rem3A_28 = arith.remsi %iota3A, %rem3A_27 : vector<16xi32>
    %add3A_29 = arith.constant 16 : i32
    %add3A_30 = vector.broadcast %add3A_29 : i32 to vector<16xi32>
    %add3A_31 = arith.addi %iota3A, %add3A_30 : vector<16xi32>
    %jit3A_32 = arith.constant 8 : i32
    %div3A_33 = vector.broadcast %jit3A_32 : i32 to vector<16xi32>
    %div3A_34 = arith.divsi %add3A_31, %div3A_33 : vector<16xi32>
    %sign3A_35 = arith.constant 0 : i32
    %sign3A_36 = vector.broadcast %sign3A_35 : i32 to vector<16xi32>
    %sign3A_37 = arith.cmpi sgt, %add3A_31, %sign3A_36 : vector<16xi32>
    %sign3A_38 = arith.extui %sign3A_37 : vector<16xi1> to vector<16xi32>
    %sign3A_39 = arith.constant 0 : i32
    %sign3A_40 = vector.broadcast %sign3A_39 : i32 to vector<16xi32>
    %sign3A_41 = arith.cmpi slt, %add3A_31, %sign3A_40 : vector<16xi32>
    %sign3A_42 = arith.extui %sign3A_41 : vector<16xi1> to vector<16xi32>
    %sign3A_43 = arith.subi %sign3A_38, %sign3A_42 : vector<16xi32>
    %sign3A_44 = arith.constant 0 : i32
    %sign3A_45 = arith.cmpi sgt, %jit3A_32, %sign3A_44 : i32
    %sign3A_46 = arith.extui %sign3A_45 : i1 to i32
    %sign3A_47 = arith.constant 0 : i32
    %sign3A_48 = arith.cmpi slt, %jit3A_32, %sign3A_47 : i32
    %sign3A_49 = arith.extui %sign3A_48 : i1 to i32
    %sign3A_50 = arith.subi %sign3A_46, %sign3A_49 : i32
    %ne3A_51 = vector.broadcast %sign3A_50 : i32 to vector<16xi32>
    %ne3A_52 = arith.cmpi ne, %sign3A_43, %ne3A_51 : vector<16xi32>
    %rem3A_53 = vector.broadcast %jit3A_32 : i32 to vector<16xi32>
    %rem3A_54 = arith.remsi %add3A_31, %rem3A_53 : vector<16xi32>
    %ne3A_55 = arith.constant 0 : i32
    %ne3A_56 = vector.broadcast %ne3A_55 : i32 to vector<16xi32>
    %ne3A_57 = arith.cmpi ne, %rem3A_54, %ne3A_56 : vector<16xi32>
    %and3A_58 = arith.andi %ne3A_52, %ne3A_57 : vector<16xi1>
    %sub3A_59 = arith.constant 1 : i32
    %sub3A_60 = vector.broadcast %sub3A_59 : i32 to vector<16xi32>
    %sub3A_61 = arith.subi %div3A_34, %sub3A_60 : vector<16xi32>
    %select_n3A_62 = arith.select %and3A_58, %sub3A_61, %div3A_34 : vector<16xi1>, vector<16xi32>
    %add3A_63 = arith.constant 16 : i32
    %add3A_64 = vector.broadcast %add3A_63 : i32 to vector<16xi32>
    %add3A_65 = arith.addi %iota3A, %add3A_64 : vector<16xi32>
    %rem3A_66 = arith.constant 8 : i32
    %rem3A_67 = vector.broadcast %rem3A_66 : i32 to vector<16xi32>
    %rem3A_68 = arith.remsi %add3A_65, %rem3A_67 : vector<16xi32>
    %mul3A_69 = arith.constant 512 : i32
    %mul3A_70 = arith.muli %mul3A_2, %mul3A_69 : i32
    %dma_start3A = tpu.memref_slice %arg2[%mul3A_70] : memref<3276800xi32, #tpu.memory_space<hbm>> -> memref<512xi32, #tpu.memory_space<hbm>>
    %dma_start3A_71 = tpu.memref_slice %arg2[%mul3A_70] : memref<3276800xi32, #tpu.memory_space<hbm>> -> memref<512xi32, #tpu.memory_space<hbm>>
    tpu.enqueue_dma source(%dma_start3A_71 : memref<512xi32, #tpu.memory_space<hbm>>) target(%arg5 : memref<512xi32, #tpu.memory_space<vmem>>) target_semaphore(%arg11 : memref<!tpu.dma_semaphore, #tpu.memory_space<semaphore_mem>>)
    %mul3A_72 = arith.constant 512 : i32
    %mul3A_73 = arith.muli %mul3A_2, %mul3A_72 : i32
    %dma_wait3A = tpu.memref_slice %arg2[%mul3A_73] : memref<3276800xi32, #tpu.memory_space<hbm>> -> memref<512xi32, #tpu.memory_space<hbm>>
    %dma_wait3A_74 = tpu.memref_slice %arg2[%mul3A_73] : memref<3276800xi32, #tpu.memory_space<hbm>> -> memref<512xi32, #tpu.memory_space<hbm>>
    tpu.wait_dma2 semaphore(%arg11 : memref<!tpu.dma_semaphore, #tpu.memory_space<semaphore_mem>>) src(%dma_wait3A_74 : memref<512xi32, #tpu.memory_space<hbm>>) dst(%arg5 : memref<512xi32, #tpu.memory_space<vmem>>)
    %dma_start3A_75 = arith.constant 0 : i32
    %dma_start3A_76 = arith.constant 0 : i32
    %dma_start3A_77 = tpu.memref_slice %arg3[%dma_start3A_75, %dma_start3A_76] : memref<1000000x32xf32, #tpu.memory_space<hbm>> -> memref<1000000x32xf32, #tpu.memory_space<hbm>>
    tpu.enqueue_indirect_dma source(%dma_start3A_77 : memref<1000000x32xf32, #tpu.memory_space<hbm>>) target(%arg7 : memref<512x32xf32, #tpu.memory_space<vmem>>) offsets(%arg5 : memref<512xi32, #tpu.memory_space<vmem>>) semaphore(%arg11 : memref<!tpu.dma_semaphore, #tpu.memory_space<semaphore_mem>>)
    %add3A_78 = arith.constant 1 : i32
    %add3A_79 = arith.addi %mul3A_2, %add3A_78 : i32
    %mul3A_80 = arith.constant 512 : i32
    %mul3A_81 = arith.muli %add3A_79, %mul3A_80 : i32
    %dma_start3A_82 = tpu.memref_slice %arg2[%mul3A_81] : memref<3276800xi32, #tpu.memory_space<hbm>> -> memref<512xi32, #tpu.memory_space<hbm>>
    %dma_start3A_83 = tpu.memref_slice %arg2[%mul3A_81] : memref<3276800xi32, #tpu.memory_space<hbm>> -> memref<512xi32, #tpu.memory_space<hbm>>
    tpu.enqueue_dma source(%dma_start3A_83 : memref<512xi32, #tpu.memory_space<hbm>>) target(%arg6 : memref<512xi32, #tpu.memory_space<vmem>>) target_semaphore(%arg12 : memref<!tpu.dma_semaphore, #tpu.memory_space<semaphore_mem>>)
    %add3A_84 = arith.constant 1 : i32
    %add3A_85 = arith.addi %mul3A_2, %add3A_84 : i32
    %mul3A_86 = arith.constant 512 : i32
    %mul3A_87 = arith.muli %add3A_85, %mul3A_86 : i32
    %dma_wait3A_88 = tpu.memref_slice %arg2[%mul3A_87] : memref<3276800xi32, #tpu.memory_space<hbm>> -> memref<512xi32, #tpu.memory_space<hbm>>
    %dma_wait3A_89 = tpu.memref_slice %arg2[%mul3A_87] : memref<3276800xi32, #tpu.memory_space<hbm>> -> memref<512xi32, #tpu.memory_space<hbm>>
    tpu.wait_dma2 semaphore(%arg12 : memref<!tpu.dma_semaphore, #tpu.memory_space<semaphore_mem>>) src(%dma_wait3A_89 : memref<512xi32, #tpu.memory_space<hbm>>) dst(%arg6 : memref<512xi32, #tpu.memory_space<vmem>>)
    %dma_start3A_90 = arith.constant 0 : i32
    %dma_start3A_91 = arith.constant 0 : i32
    %dma_start3A_92 = tpu.memref_slice %arg3[%dma_start3A_90, %dma_start3A_91] : memref<1000000x32xf32, #tpu.memory_space<hbm>> -> memref<1000000x32xf32, #tpu.memory_space<hbm>>
    tpu.enqueue_indirect_dma source(%dma_start3A_92 : memref<1000000x32xf32, #tpu.memory_space<hbm>>) target(%arg8 : memref<512x32xf32, #tpu.memory_space<vmem>>) offsets(%arg6 : memref<512xi32, #tpu.memory_space<vmem>>) semaphore(%arg12 : memref<!tpu.dma_semaphore, #tpu.memory_space<semaphore_mem>>)
    %scan3A = arith.constant 0 : i32
    %scan3A_93 = arith.constant 0 : i32
    %scan3A_94 = arith.constant 100 : i32
    %scan3A_95 = arith.addi %scan3A_93, %scan3A_94 : i32
    %scan3A_96 = arith.constant 1 : i32
    scf.for %scan3A_310 = %scan3A_93 to %scan3A_95 step %scan3A_96  : i32 {
      %mul3A_311 = arith.constant 2 : i32
      %mul3A_312 = arith.muli %mul3A_311, %scan3A_310 : i32
      %add3A_313 = arith.addi %mul3A_2, %mul3A_312 : i32
      %add3A_314 = arith.constant 1 : i32
      %add3A_315 = arith.addi %add3A_313, %add3A_314 : i32
      %dma_wait3A_316 = arith.constant 0 : i32
      %dma_wait3A_317 = arith.constant 0 : i32
      %dma_wait3A_318 = tpu.memref_slice %arg3[%dma_wait3A_316, %dma_wait3A_317] : memref<1000000x32xf32, #tpu.memory_space<hbm>> -> memref<1000000x32xf32, #tpu.memory_space<hbm>>
      tpu.wait_indirect_dma semaphore(%arg11 : memref<!tpu.dma_semaphore, #tpu.memory_space<semaphore_mem>>) src(%dma_wait3A_318 : memref<1000000x32xf32, #tpu.memory_space<hbm>>) dst(%arg7 : memref<512x32xf32, #tpu.memory_space<vmem>>)
      %gt3A = arith.constant 0 : i32
      %gt3A_319 = arith.cmpi sgt, %scan3A_310, %gt3A : i32
      %convert_element_type3A = arith.extui %gt3A_319 : i1 to i32
      %cond3A = arith.constant 0 : i32
      %cond3A_320 = arith.cmpi ne, %convert_element_type3A, %cond3A : i32
      scf.if %cond3A_320 {
        %sub3A_565 = arith.constant 2 : i32
        %sub3A_566 = arith.subi %add3A_313, %sub3A_565 : i32
        %jit3A_567 = arith.constant 256 : i32
        %div3A_568 = arith.divsi %sub3A_566, %jit3A_567 : i32
        %sign3A_569 = arith.constant 0 : i32
        %sign3A_570 = arith.cmpi sgt, %sub3A_566, %sign3A_569 : i32
        %sign3A_571 = arith.extui %sign3A_570 : i1 to i32
        %sign3A_572 = arith.constant 0 : i32
        %sign3A_573 = arith.cmpi slt, %sub3A_566, %sign3A_572 : i32
        %sign3A_574 = arith.extui %sign3A_573 : i1 to i32
        %sign3A_575 = arith.subi %sign3A_571, %sign3A_574 : i32
        %sign3A_576 = arith.constant 0 : i32
        %sign3A_577 = arith.cmpi sgt, %jit3A_567, %sign3A_576 : i32
        %sign3A_578 = arith.extui %sign3A_577 : i1 to i32
        %sign3A_579 = arith.constant 0 : i32
        %sign3A_580 = arith.cmpi slt, %jit3A_567, %sign3A_579 : i32
        %sign3A_581 = arith.extui %sign3A_580 : i1 to i32
        %sign3A_582 = arith.subi %sign3A_578, %sign3A_581 : i32
        %ne3A_583 = arith.cmpi ne, %sign3A_575, %sign3A_582 : i32
        %rem3A_584 = arith.remsi %sub3A_566, %jit3A_567 : i32
        %ne3A_585 = arith.constant 0 : i32
        %ne3A_586 = arith.cmpi ne, %rem3A_584, %ne3A_585 : i32
        %and3A_587 = arith.andi %ne3A_583, %ne3A_586 : i1
        %sub3A_588 = arith.constant 1 : i32
        %sub3A_589 = arith.subi %div3A_568, %sub3A_588 : i32
        %select_n3A_590 = arith.select %and3A_587, %sub3A_589, %div3A_568 : i32
        %jit3A_591 = arith.constant 256 : i32
        %eq3A_592 = arith.constant 0 : i32
        %eq3A_593 = arith.cmpi eq, %jit3A_591, %eq3A_592 : i32
        %jit3A_594 = arith.constant 1 : i32
        %select_n3A_595 = arith.select %eq3A_593, %jit3A_594, %jit3A_591 : i32
        %rem3A_596 = arith.remsi %sub3A_566, %select_n3A_595 : i32
        %ne3A_597 = arith.constant 0 : i32
        %ne3A_598 = arith.cmpi ne, %rem3A_596, %ne3A_597 : i32
        %lt3A_599 = arith.constant 0 : i32
        %lt3A_600 = arith.cmpi slt, %rem3A_596, %lt3A_599 : i32
        %lt3A_601 = arith.constant 0 : i32
        %lt3A_602 = arith.cmpi slt, %select_n3A_595, %lt3A_601 : i32
        %ne3A_603 = arith.xori %lt3A_600, %lt3A_602 : i1
        %and3A_604 = arith.andi %ne3A_603, %ne3A_598 : i1
        %add3A_605 = arith.addi %rem3A_596, %select_n3A_595 : i32
        %select_n3A_606 = arith.select %and3A_604, %add3A_605, %rem3A_596 : i32
        %jit3A_607 = arith.constant 2 : i32
        %div3A_608 = arith.divsi %select_n3A_606, %jit3A_607 : i32
        %sign3A_609 = arith.constant 0 : i32
        %sign3A_610 = arith.cmpi sgt, %select_n3A_606, %sign3A_609 : i32
        %sign3A_611 = arith.extui %sign3A_610 : i1 to i32
        %sign3A_612 = arith.constant 0 : i32
        %sign3A_613 = arith.cmpi slt, %select_n3A_606, %sign3A_612 : i32
        %sign3A_614 = arith.extui %sign3A_613 : i1 to i32
        %sign3A_615 = arith.subi %sign3A_611, %sign3A_614 : i32
        %sign3A_616 = arith.constant 0 : i32
        %sign3A_617 = arith.cmpi sgt, %jit3A_607, %sign3A_616 : i32
        %sign3A_618 = arith.extui %sign3A_617 : i1 to i32
        %sign3A_619 = arith.constant 0 : i32
        %sign3A_620 = arith.cmpi slt, %jit3A_607, %sign3A_619 : i32
        %sign3A_621 = arith.extui %sign3A_620 : i1 to i32
        %sign3A_622 = arith.subi %sign3A_618, %sign3A_621 : i32
        %ne3A_623 = arith.cmpi ne, %sign3A_615, %sign3A_622 : i32
        %rem3A_624 = arith.remsi %select_n3A_606, %jit3A_607 : i32
        %ne3A_625 = arith.constant 0 : i32
        %ne3A_626 = arith.cmpi ne, %rem3A_624, %ne3A_625 : i32
        %and3A_627 = arith.andi %ne3A_623, %ne3A_626 : i1
        %sub3A_628 = arith.constant 1 : i32
        %sub3A_629 = arith.subi %div3A_608, %sub3A_628 : i32
        %select_n3A_630 = arith.select %and3A_627, %sub3A_629, %div3A_608 : i32
        %jit3A_631 = arith.constant 2 : i32
        %eq3A_632 = arith.constant 0 : i32
        %eq3A_633 = arith.cmpi eq, %jit3A_631, %eq3A_632 : i32
        %jit3A_634 = arith.constant 1 : i32
        %select_n3A_635 = arith.select %eq3A_633, %jit3A_634, %jit3A_631 : i32
        %rem3A_636 = arith.remsi %select_n3A_606, %select_n3A_635 : i32
        %ne3A_637 = arith.constant 0 : i32
        %ne3A_638 = arith.cmpi ne, %rem3A_636, %ne3A_637 : i32
        %lt3A_639 = arith.constant 0 : i32
        %lt3A_640 = arith.cmpi slt, %rem3A_636, %lt3A_639 : i32
        %lt3A_641 = arith.constant 0 : i32
        %lt3A_642 = arith.cmpi slt, %select_n3A_635, %lt3A_641 : i32
        %ne3A_643 = arith.xori %lt3A_640, %lt3A_642 : i1
        %and3A_644 = arith.andi %ne3A_643, %ne3A_638 : i1
        %add3A_645 = arith.addi %rem3A_636, %select_n3A_635 : i32
        %select_n3A_646 = arith.select %and3A_644, %add3A_645, %rem3A_636 : i32
        %mul3A_647 = arith.constant 8 : i32
        %mul3A_648 = arith.muli %select_n3A_590, %mul3A_647 : i32
        %mul3A_649 = arith.constant 4 : i32
        %mul3A_650 = arith.muli %select_n3A_646, %mul3A_649 : i32
        %add3A_651 = arith.addi %mul3A_648, %mul3A_650 : i32
        %dma_wait3A_652 = arith.constant 0 : i32
        %dma_wait3A_653 = arith.constant 0 : i32
        %dma_wait3A_654 = arith.constant 0 : i32
        %dma_wait3A_655 = arith.constant 0 : i32
        %dma_wait3A_656 = tpu.memref_slice %arg9[%dma_wait3A_652, %dma_wait3A_653, %dma_wait3A_654, %dma_wait3A_655] : memref<4x4x8x129xf32, #tpu.memory_space<vmem>> -> memref<4x4x8x128xf32, #tpu.memory_space<vmem>>
        %dma_wait3A_657 = arith.constant 0 : i32
        %dma_wait3A_658 = arith.constant 0 : i32
        %dma_wait3A_659 = arith.constant 0 : i32
        %dma_wait3A_660 = tpu.memref_slice %arg4[%add3A_651, %dma_wait3A_657, %select_n3A_630, %dma_wait3A_658, %dma_wait3A_659] : memref<200x4x128x8x128xf32, #tpu.memory_space<hbm>> -> memref<4x4x1x8x128xf32, #tpu.memory_space<hbm>>
        %dma_wait3A_661 = tpu.memref_squeeze %dma_wait3A_660 : memref<4x4x1x8x128xf32, #tpu.memory_space<hbm>> -> memref<4x4x8x128xf32, #tpu.memory_space<hbm>>
        %dma_wait3A_662 = arith.constant 0 : i32
        %dma_wait3A_663 = arith.constant 0 : i32
        %dma_wait3A_664 = arith.constant 0 : i32
        %dma_wait3A_665 = tpu.memref_slice %arg4[%add3A_651, %dma_wait3A_662, %select_n3A_630, %dma_wait3A_663, %dma_wait3A_664] : memref<200x4x128x8x128xf32, #tpu.memory_space<hbm>> -> memref<4x4x1x8x128xf32, #tpu.memory_space<hbm>>
        %dma_wait3A_666 = tpu.memref_squeeze %dma_wait3A_665 : memref<4x4x1x8x128xf32, #tpu.memory_space<hbm>> -> memref<4x4x8x128xf32, #tpu.memory_space<hbm>>
        %dma_wait3A_667 = arith.constant 0 : i32
        %dma_wait3A_668 = arith.constant 0 : i32
        %dma_wait3A_669 = arith.constant 0 : i32
        %dma_wait3A_670 = arith.constant 0 : i32
        %dma_wait3A_671 = tpu.memref_slice %arg9[%dma_wait3A_667, %dma_wait3A_668, %dma_wait3A_669, %dma_wait3A_670] : memref<4x4x8x129xf32, #tpu.memory_space<vmem>> -> memref<4x4x8x128xf32, #tpu.memory_space<vmem>>
        tpu.wait_dma2 semaphore(%arg13 : memref<!tpu.dma_semaphore, #tpu.memory_space<semaphore_mem>>) src(%dma_wait3A_671 : memref<4x4x8x128xf32, #tpu.memory_space<vmem>>) dst(%dma_wait3A_666 : memref<4x4x8x128xf32, #tpu.memory_space<hbm>>)
      } else {
      }
      %scan3A_321 = arith.constant 0 : i32
      %scan3A_322 = arith.constant 0 : i32
      %scan3A_323 = arith.constant 4 : i32
      %scan3A_324 = arith.addi %scan3A_322, %scan3A_323 : i32
      %scan3A_325 = arith.constant 1 : i32
      scf.for %scan3A_565 = %scan3A_322 to %scan3A_324 step %scan3A_325  : i32 {
        %broadcast_in_dim3A = vector.broadcast %scan3A_565 : i32 to vector<16xi32>
        %mul3A_566 = arith.constant 128 : i32
        %mul3A_567 = arith.muli %scan3A_565, %mul3A_566 : i32
        %scan3A_568 = arith.constant 0 : i32
        %scan3A_569 = arith.constant 0 : i32
        %scan3A_570 = arith.constant 16 : i32
        %scan3A_571 = arith.addi %scan3A_569, %scan3A_570 : i32
        %scan3A_572 = arith.constant 1 : i32
        scf.for %scan3A_574 = %scan3A_569 to %scan3A_571 step %scan3A_572  : i32 {
          %mul3A_575 = arith.constant 8 : i32
          %mul3A_576 = arith.muli %scan3A_574, %mul3A_575 : i32
          %add3A_577 = arith.constant 0 : i32
          %add3A_578 = arith.addi %mul3A_576, %add3A_577 : i32
          %add3A_579 = arith.addi %mul3A_567, %add3A_578 : i32
          %broadcast_in_dim3A_580 = vector.broadcast %add3A_578 : i32 to vector<16xi32>
          %get3A = arith.index_cast %add3A_579 : i32 to index
          %get3A_581 = arith.constant 0 : index
          %get3A_582 = tpu.vector_load %arg7[%get3A, %get3A_581] {strides = array<i32>} : memref<512x32xf32, #tpu.memory_space<vmem>>, vector<16xf32>,
          tpu.vector_store_idx %arg9[%broadcast_in_dim3A, %select_n3A, %rem3A_28, %broadcast_in_dim3A_580], %get3A_582 : memref<4x4x8x129xf32, #tpu.memory_space<vmem>>[vector<16xi32>, vector<16xi32>, vector<16xi32>, vector<16xi32>], vector<16xf32>,
          %get3A_583 = arith.index_cast %add3A_579 : i32 to index
          %get3A_584 = arith.constant 16 : index
          %get3A_585 = tpu.vector_load %arg7[%get3A_583, %get3A_584] {strides = array<i32>} : memref<512x32xf32, #tpu.memory_space<vmem>>, vector<16xf32>,
          tpu.vector_store_idx %arg9[%broadcast_in_dim3A, %select_n3A_62, %rem3A_68, %broadcast_in_dim3A_580], %get3A_585 : memref<4x4x8x129xf32, #tpu.memory_space<vmem>>[vector<16xi32>, vector<16xi32>, vector<16xi32>, vector<16xi32>], vector<16xf32>,
          %mul3A_586 = arith.constant 8 : i32
          %mul3A_587 = arith.muli %scan3A_574, %mul3A_586 : i32
          %add3A_588 = arith.constant 1 : i32
          %add3A_589 = arith.addi %mul3A_587, %add3A_588 : i32
          %add3A_590 = arith.addi %mul3A_567, %add3A_589 : i32
          %broadcast_in_dim3A_591 = vector.broadcast %add3A_589 : i32 to vector<16xi32>
          %get3A_592 = arith.index_cast %add3A_590 : i32 to index
          %get3A_593 = arith.constant 0 : index
          %get3A_594 = tpu.vector_load %arg7[%get3A_592, %get3A_593] {strides = array<i32>} : memref<512x32xf32, #tpu.memory_space<vmem>>, vector<16xf32>,
          tpu.vector_store_idx %arg9[%broadcast_in_dim3A, %select_n3A, %rem3A_28, %broadcast_in_dim3A_591], %get3A_594 : memref<4x4x8x129xf32, #tpu.memory_space<vmem>>[vector<16xi32>, vector<16xi32>, vector<16xi32>, vector<16xi32>], vector<16xf32>,
          %get3A_595 = arith.index_cast %add3A_590 : i32 to index
          %get3A_596 = arith.constant 16 : index
          %get3A_597 = tpu.vector_load %arg7[%get3A_595, %get3A_596] {strides = array<i32>} : memref<512x32xf32, #tpu.memory_space<vmem>>, vector<16xf32>,
          tpu.vector_store_idx %arg9[%broadcast_in_dim3A, %select_n3A_62, %rem3A_68, %broadcast_in_dim3A_591], %get3A_597 : memref<4x4x8x129xf32, #tpu.memory_space<vmem>>[vector<16xi32>, vector<16xi32>, vector<16xi32>, vector<16xi32>], vector<16xf32>,
          %mul3A_598 = arith.constant 8 : i32
          %mul3A_599 = arith.muli %scan3A_574, %mul3A_598 : i32
          %add3A_600 = arith.constant 2 : i32
          %add3A_601 = arith.addi %mul3A_599, %add3A_600 : i32
          %add3A_602 = arith.addi %mul3A_567, %add3A_601 : i32
          %broadcast_in_dim3A_603 = vector.broadcast %add3A_601 : i32 to vector<16xi32>
          %get3A_604 = arith.index_cast %add3A_602 : i32 to index
          %get3A_605 = arith.constant 0 : index
          %get3A_606 = tpu.vector_load %arg7[%get3A_604, %get3A_605] {strides = array<i32>} : memref<512x32xf32, #tpu.memory_space<vmem>>, vector<16xf32>,
          tpu.vector_store_idx %arg9[%broadcast_in_dim3A, %select_n3A, %rem3A_28, %broadcast_in_dim3A_603], %get3A_606 : memref<4x4x8x129xf32, #tpu.memory_space<vmem>>[vector<16xi32>, vector<16xi32>, vector<16xi32>, vector<16xi32>], vector<16xf32>,
          %get3A_607 = arith.index_cast %add3A_602 : i32 to index
          %get3A_608 = arith.constant 16 : index
          %get3A_609 = tpu.vector_load %arg7[%get3A_607, %get3A_608] {strides = array<i32>} : memref<512x32xf32, #tpu.memory_space<vmem>>, vector<16xf32>,
          tpu.vector_store_idx %arg9[%broadcast_in_dim3A, %select_n3A_62, %rem3A_68, %broadcast_in_dim3A_603], %get3A_609 : memref<4x4x8x129xf32, #tpu.memory_space<vmem>>[vector<16xi32>, vector<16xi32>, vector<16xi32>, vector<16xi32>], vector<16xf32>,
          %mul3A_610 = arith.constant 8 : i32
          %mul3A_611 = arith.muli %scan3A_574, %mul3A_610 : i32
          %add3A_612 = arith.constant 3 : i32
          %add3A_613 = arith.addi %mul3A_611, %add3A_612 : i32
          %add3A_614 = arith.addi %mul3A_567, %add3A_613 : i32
          %broadcast_in_dim3A_615 = vector.broadcast %add3A_613 : i32 to vector<16xi32>
          %get3A_616 = arith.index_cast %add3A_614 : i32 to index
          %get3A_617 = arith.constant 0 : index
          %get3A_618 = tpu.vector_load %arg7[%get3A_616, %get3A_617] {strides = array<i32>} : memref<512x32xf32, #tpu.memory_space<vmem>>, vector<16xf32>,
          tpu.vector_store_idx %arg9[%broadcast_in_dim3A, %select_n3A, %rem3A_28, %broadcast_in_dim3A_615], %get3A_618 : memref<4x4x8x129xf32, #tpu.memory_space<vmem>>[vector<16xi32>, vector<16xi32>, vector<16xi32>, vector<16xi32>], vector<16xf32>,
          %get3A_619 = arith.index_cast %add3A_614 : i32 to index
          %get3A_620 = arith.constant 16 : index
          %get3A_621 = tpu.vector_load %arg7[%get3A_619, %get3A_620] {strides = array<i32>} : memref<512x32xf32, #tpu.memory_space<vmem>>, vector<16xf32>,
          tpu.vector_store_idx %arg9[%broadcast_in_dim3A, %select_n3A_62, %rem3A_68, %broadcast_in_dim3A_615], %get3A_621 : memref<4x4x8x129xf32, #tpu.memory_space<vmem>>[vector<16xi32>, vector<16xi32>, vector<16xi32>, vector<16xi32>], vector<16xf32>,
          %mul3A_622 = arith.constant 8 : i32
          %mul3A_623 = arith.muli %scan3A_574, %mul3A_622 : i32
          %add3A_624 = arith.constant 4 : i32
          %add3A_625 = arith.addi %mul3A_623, %add3A_624 : i32
          %add3A_626 = arith.addi %mul3A_567, %add3A_625 : i32
          %broadcast_in_dim3A_627 = vector.broadcast %add3A_625 : i32 to vector<16xi32>
          %get3A_628 = arith.index_cast %add3A_626 : i32 to index
          %get3A_629 = arith.constant 0 : index
          %get3A_630 = tpu.vector_load %arg7[%get3A_628, %get3A_629] {strides = array<i32>} : memref<512x32xf32, #tpu.memory_space<vmem>>, vector<16xf32>,
          tpu.vector_store_idx %arg9[%broadcast_in_dim3A, %select_n3A, %rem3A_28, %broadcast_in_dim3A_627], %get3A_630 : memref<4x4x8x129xf32, #tpu.memory_space<vmem>>[vector<16xi32>, vector<16xi32>, vector<16xi32>, vector<16xi32>], vector<16xf32>,
          %get3A_631 = arith.index_cast %add3A_626 : i32 to index
          %get3A_632 = arith.constant 16 : index
          %get3A_633 = tpu.vector_load %arg7[%get3A_631, %get3A_632] {strides = array<i32>} : memref<512x32xf32, #tpu.memory_space<vmem>>, vector<16xf32>,
          tpu.vector_store_idx %arg9[%broadcast_in_dim3A, %select_n3A_62, %rem3A_68, %broadcast_in_dim3A_627], %get3A_633 : memref<4x4x8x129xf32, #tpu.memory_space<vmem>>[vector<16xi32>, vector<16xi32>, vector<16xi32>, vector<16xi32>], vector<16xf32>,
          %mul3A_634 = arith.constant 8 : i32
          %mul3A_635 = arith.muli %scan3A_574, %mul3A_634 : i32
          %add3A_636 = arith.constant 5 : i32
          %add3A_637 = arith.addi %mul3A_635, %add3A_636 : i32
          %add3A_638 = arith.addi %mul3A_567, %add3A_637 : i32
          %broadcast_in_dim3A_639 = vector.broadcast %add3A_637 : i32 to vector<16xi32>
          %get3A_640 = arith.index_cast %add3A_638 : i32 to index
          %get3A_641 = arith.constant 0 : index
          %get3A_642 = tpu.vector_load %arg7[%get3A_640, %get3A_641] {strides = array<i32>} : memref<512x32xf32, #tpu.memory_space<vmem>>, vector<16xf32>,
          tpu.vector_store_idx %arg9[%broadcast_in_dim3A, %select_n3A, %rem3A_28, %broadcast_in_dim3A_639], %get3A_642 : memref<4x4x8x129xf32, #tpu.memory_space<vmem>>[vector<16xi32>, vector<16xi32>, vector<16xi32>, vector<16xi32>], vector<16xf32>,
          %get3A_643 = arith.index_cast %add3A_638 : i32 to index
          %get3A_644 = arith.constant 16 : index
          %get3A_645 = tpu.vector_load %arg7[%get3A_643, %get3A_644] {strides = array<i32>} : memref<512x32xf32, #tpu.memory_space<vmem>>, vector<16xf32>,
          tpu.vector_store_idx %arg9[%broadcast_in_dim3A, %select_n3A_62, %rem3A_68, %broadcast_in_dim3A_639], %get3A_645 : memref<4x4x8x129xf32, #tpu.memory_space<vmem>>[vector<16xi32>, vector<16xi32>, vector<16xi32>, vector<16xi32>], vector<16xf32>,
          %mul3A_646 = arith.constant 8 : i32
          %mul3A_647 = arith.muli %scan3A_574, %mul3A_646 : i32
          %add3A_648 = arith.constant 6 : i32
          %add3A_649 = arith.addi %mul3A_647, %add3A_648 : i32
          %add3A_650 = arith.addi %mul3A_567, %add3A_649 : i32
          %broadcast_in_dim3A_651 = vector.broadcast %add3A_649 : i32 to vector<16xi32>
          %get3A_652 = arith.index_cast %add3A_650 : i32 to index
          %get3A_653 = arith.constant 0 : index
          %get3A_654 = tpu.vector_load %arg7[%get3A_652, %get3A_653] {strides = array<i32>} : memref<512x32xf32, #tpu.memory_space<vmem>>, vector<16xf32>,
          tpu.vector_store_idx %arg9[%broadcast_in_dim3A, %select_n3A, %rem3A_28, %broadcast_in_dim3A_651], %get3A_654 : memref<4x4x8x129xf32, #tpu.memory_space<vmem>>[vector<16xi32>, vector<16xi32>, vector<16xi32>, vector<16xi32>], vector<16xf32>,
          %get3A_655 = arith.index_cast %add3A_650 : i32 to index
          %get3A_656 = arith.constant 16 : index
          %get3A_657 = tpu.vector_load %arg7[%get3A_655, %get3A_656] {strides = array<i32>} : memref<512x32xf32, #tpu.memory_space<vmem>>, vector<16xf32>,
          tpu.vector_store_idx %arg9[%broadcast_in_dim3A, %select_n3A_62, %rem3A_68, %broadcast_in_dim3A_651], %get3A_657 : memref<4x4x8x129xf32, #tpu.memory_space<vmem>>[vector<16xi32>, vector<16xi32>, vector<16xi32>, vector<16xi32>], vector<16xf32>,
          %mul3A_658 = arith.constant 8 : i32
          %mul3A_659 = arith.muli %scan3A_574, %mul3A_658 : i32
          %add3A_660 = arith.constant 7 : i32
          %add3A_661 = arith.addi %mul3A_659, %add3A_660 : i32
          %add3A_662 = arith.addi %mul3A_567, %add3A_661 : i32
          %broadcast_in_dim3A_663 = vector.broadcast %add3A_661 : i32 to vector<16xi32>
          %get3A_664 = arith.index_cast %add3A_662 : i32 to index
          %get3A_665 = arith.constant 0 : index
          %get3A_666 = tpu.vector_load %arg7[%get3A_664, %get3A_665] {strides = array<i32>} : memref<512x32xf32, #tpu.memory_space<vmem>>, vector<16xf32>,
          tpu.vector_store_idx %arg9[%broadcast_in_dim3A, %select_n3A, %rem3A_28, %broadcast_in_dim3A_663], %get3A_666 : memref<4x4x8x129xf32, #tpu.memory_space<vmem>>[vector<16xi32>, vector<16xi32>, vector<16xi32>, vector<16xi32>], vector<16xf32>,
          %get3A_667 = arith.index_cast %add3A_662 : i32 to index
          %get3A_668 = arith.constant 16 : index
          %get3A_669 = tpu.vector_load %arg7[%get3A_667, %get3A_668] {strides = array<i32>} : memref<512x32xf32, #tpu.memory_space<vmem>>, vector<16xf32>,
          tpu.vector_store_idx %arg9[%broadcast_in_dim3A, %select_n3A_62, %rem3A_68, %broadcast_in_dim3A_663], %get3A_669 : memref<4x4x8x129xf32, #tpu.memory_space<vmem>>[vector<16xi32>, vector<16xi32>, vector<16xi32>, vector<16xi32>], vector<16xf32>,
        }
        %scan3A_573 = arith.constant 16 : i32
      }
      %scan3A_326 = arith.constant 4 : i32
      %jit3A_327 = arith.constant 256 : i32
      %div3A_328 = arith.divsi %add3A_313, %jit3A_327 : i32
      %sign3A_329 = arith.constant 0 : i32
      %sign3A_330 = arith.cmpi sgt, %add3A_313, %sign3A_329 : i32
      %sign3A_331 = arith.extui %sign3A_330 : i1 to i32
      %sign3A_332 = arith.constant 0 : i32
      %sign3A_333 = arith.cmpi slt, %add3A_313, %sign3A_332 : i32
      %sign3A_334 = arith.extui %sign3A_333 : i1 to i32
      %sign3A_335 = arith.subi %sign3A_331, %sign3A_334 : i32
      %sign3A_336 = arith.constant 0 : i32
      %sign3A_337 = arith.cmpi sgt, %jit3A_327, %sign3A_336 : i32
      %sign3A_338 = arith.extui %sign3A_337 : i1 to i32
      %sign3A_339 = arith.constant 0 : i32
      %sign3A_340 = arith.cmpi slt, %jit3A_327, %sign3A_339 : i32
      %sign3A_341 = arith.extui %sign3A_340 : i1 to i32
      %sign3A_342 = arith.subi %sign3A_338, %sign3A_341 : i32
      %ne3A_343 = arith.cmpi ne, %sign3A_335, %sign3A_342 : i32
      %rem3A_344 = arith.remsi %add3A_313, %jit3A_327 : i32
      %ne3A_345 = arith.constant 0 : i32
      %ne3A_346 = arith.cmpi ne, %rem3A_344, %ne3A_345 : i32
      %and3A_347 = arith.andi %ne3A_343, %ne3A_346 : i1
      %sub3A_348 = arith.constant 1 : i32
      %sub3A_349 = arith.subi %div3A_328, %sub3A_348 : i32
      %select_n3A_350 = arith.select %and3A_347, %sub3A_349, %div3A_328 : i32
      %jit3A_351 = arith.constant 256 : i32
      %eq3A_352 = arith.constant 0 : i32
      %eq3A_353 = arith.cmpi eq, %jit3A_351, %eq3A_352 : i32
      %jit3A_354 = arith.constant 1 : i32
      %select_n3A_355 = arith.select %eq3A_353, %jit3A_354, %jit3A_351 : i32
      %rem3A_356 = arith.remsi %add3A_313, %select_n3A_355 : i32
      %ne3A_357 = arith.constant 0 : i32
      %ne3A_358 = arith.cmpi ne, %rem3A_356, %ne3A_357 : i32
      %lt3A_359 = arith.constant 0 : i32
      %lt3A_360 = arith.cmpi slt, %rem3A_356, %lt3A_359 : i32
      %lt3A_361 = arith.constant 0 : i32
      %lt3A_362 = arith.cmpi slt, %select_n3A_355, %lt3A_361 : i32
      %ne3A_363 = arith.xori %lt3A_360, %lt3A_362 : i1
      %and3A_364 = arith.andi %ne3A_363, %ne3A_358 : i1
      %add3A_365 = arith.addi %rem3A_356, %select_n3A_355 : i32
      %select_n3A_366 = arith.select %and3A_364, %add3A_365, %rem3A_356 : i32
      %jit3A_367 = arith.constant 2 : i32
      %div3A_368 = arith.divsi %select_n3A_366, %jit3A_367 : i32
      %sign3A_369 = arith.constant 0 : i32
      %sign3A_370 = arith.cmpi sgt, %select_n3A_366, %sign3A_369 : i32
      %sign3A_371 = arith.extui %sign3A_370 : i1 to i32
      %sign3A_372 = arith.constant 0 : i32
      %sign3A_373 = arith.cmpi slt, %select_n3A_366, %sign3A_372 : i32
      %sign3A_374 = arith.extui %sign3A_373 : i1 to i32
      %sign3A_375 = arith.subi %sign3A_371, %sign3A_374 : i32
      %sign3A_376 = arith.constant 0 : i32
      %sign3A_377 = arith.cmpi sgt, %jit3A_367, %sign3A_376 : i32
      %sign3A_378 = arith.extui %sign3A_377 : i1 to i32
      %sign3A_379 = arith.constant 0 : i32
      %sign3A_380 = arith.cmpi slt, %jit3A_367, %sign3A_379 : i32
      %sign3A_381 = arith.extui %sign3A_380 : i1 to i32
      %sign3A_382 = arith.subi %sign3A_378, %sign3A_381 : i32
      %ne3A_383 = arith.cmpi ne, %sign3A_375, %sign3A_382 : i32
      %rem3A_384 = arith.remsi %select_n3A_366, %jit3A_367 : i32
      %ne3A_385 = arith.constant 0 : i32
      %ne3A_386 = arith.cmpi ne, %rem3A_384, %ne3A_385 : i32
      %and3A_387 = arith.andi %ne3A_383, %ne3A_386 : i1
      %sub3A_388 = arith.constant 1 : i32
      %sub3A_389 = arith.subi %div3A_368, %sub3A_388 : i32
      %select_n3A_390 = arith.select %and3A_387, %sub3A_389, %div3A_368 : i32
      %jit3A_391 = arith.constant 2 : i32
      %eq3A_392 = arith.constant 0 : i32
      %eq3A_393 = arith.cmpi eq, %jit3A_391, %eq3A_392 : i32
      %jit3A_394 = arith.constant 1 : i32
      %select_n3A_395 = arith.select %eq3A_393, %jit3A_394, %jit3A_391 : i32
      %rem3A_396 = arith.remsi %select_n3A_366, %select_n3A_395 : i32
      %ne3A_397 = arith.constant 0 : i32
      %ne3A_398 = arith.cmpi ne, %rem3A_396, %ne3A_397 : i32
      %lt3A_399 = arith.constant 0 : i32
      %lt3A_400 = arith.cmpi slt, %rem3A_396, %lt3A_399 : i32
      %lt3A_401 = arith.constant 0 : i32
      %lt3A_402 = arith.cmpi slt, %select_n3A_395, %lt3A_401 : i32
      %ne3A_403 = arith.xori %lt3A_400, %lt3A_402 : i1
      %and3A_404 = arith.andi %ne3A_403, %ne3A_398 : i1
      %add3A_405 = arith.addi %rem3A_396, %select_n3A_395 : i32
      %select_n3A_406 = arith.select %and3A_404, %add3A_405, %rem3A_396 : i32
      %mul3A_407 = arith.constant 8 : i32
      %mul3A_408 = arith.muli %select_n3A_350, %mul3A_407 : i32
      %mul3A_409 = arith.constant 4 : i32
      %mul3A_410 = arith.muli %select_n3A_406, %mul3A_409 : i32
      %add3A_411 = arith.addi %mul3A_408, %mul3A_410 : i32
      %dma_start3A_412 = arith.constant 0 : i32
      %dma_start3A_413 = arith.constant 0 : i32
      %dma_start3A_414 = arith.constant 0 : i32
      %dma_start3A_415 = arith.constant 0 : i32
      %dma_start3A_416 = tpu.memref_slice %arg9[%dma_start3A_412, %dma_start3A_413, %dma_start3A_414, %dma_start3A_415] : memref<4x4x8x129xf32, #tpu.memory_space<vmem>> -> memref<4x4x8x128xf32, #tpu.memory_space<vmem>>
      %dma_start3A_417 = arith.constant 0 : i32
      %dma_start3A_418 = arith.constant 0 : i32
      %dma_start3A_419 = arith.constant 0 : i32
      %dma_start3A_420 = tpu.memref_slice %arg4[%add3A_411, %dma_start3A_417, %select_n3A_390, %dma_start3A_418, %dma_start3A_419] : memref<200x4x128x8x128xf32, #tpu.memory_space<hbm>> -> memref<4x4x1x8x128xf32, #tpu.memory_space<hbm>>
      %dma_start3A_421 = tpu.memref_squeeze %dma_start3A_420 : memref<4x4x1x8x128xf32, #tpu.memory_space<hbm>> -> memref<4x4x8x128xf32, #tpu.memory_space<hbm>>
      %dma_start3A_422 = arith.constant 0 : i32
      %dma_start3A_423 = arith.constant 0 : i32
      %dma_start3A_424 = arith.constant 0 : i32
      %dma_start3A_425 = tpu.memref_slice %arg4[%add3A_411, %dma_start3A_422, %select_n3A_390, %dma_start3A_423, %dma_start3A_424] : memref<200x4x128x8x128xf32, #tpu.memory_space<hbm>> -> memref<4x4x1x8x128xf32, #tpu.memory_space<hbm>>
      %dma_start3A_426 = tpu.memref_squeeze %dma_start3A_425 : memref<4x4x1x8x128xf32, #tpu.memory_space<hbm>> -> memref<4x4x8x128xf32, #tpu.memory_space<hbm>>
      %dma_start3A_427 = arith.constant 0 : i32
      %dma_start3A_428 = arith.constant 0 : i32
      %dma_start3A_429 = arith.constant 0 : i32
      %dma_start3A_430 = arith.constant 0 : i32
      %dma_start3A_431 = tpu.memref_slice %arg9[%dma_start3A_427, %dma_start3A_428, %dma_start3A_429, %dma_start3A_430] : memref<4x4x8x129xf32, #tpu.memory_space<vmem>> -> memref<4x4x8x128xf32, #tpu.memory_space<vmem>>
      tpu.enqueue_dma source(%dma_start3A_431 : memref<4x4x8x128xf32, #tpu.memory_space<vmem>>) target(%dma_start3A_426 : memref<4x4x8x128xf32, #tpu.memory_space<hbm>>) target_semaphore(%arg13 : memref<!tpu.dma_semaphore, #tpu.memory_space<semaphore_mem>>)
      %add3A_432 = arith.constant 1 : i32
      %add3A_433 = arith.addi %scan3A_310, %add3A_432 : i32
      %lt3A_434 = arith.constant 100 : i32
      %lt3A_435 = arith.cmpi slt, %add3A_433, %lt3A_434 : i32
      %convert_element_type3A_436 = arith.extui %lt3A_435 : i1 to i32
      %cond3A_437 = arith.constant 0 : i32
      %cond3A_438 = arith.cmpi ne, %convert_element_type3A_436, %cond3A_437 : i32
      scf.if %cond3A_438 {
        %add3A_565 = arith.constant 2 : i32
        %add3A_566 = arith.addi %add3A_313, %add3A_565 : i32
        %mul3A_567 = arith.constant 512 : i32
        %mul3A_568 = arith.muli %add3A_566, %mul3A_567 : i32
        %dma_start3A_569 = tpu.memref_slice %arg2[%mul3A_568] : memref<3276800xi32, #tpu.memory_space<hbm>> -> memref<512xi32, #tpu.memory_space<hbm>>
        %dma_start3A_570 = tpu.memref_slice %arg2[%mul3A_568] : memref<3276800xi32, #tpu.memory_space<hbm>> -> memref<512xi32, #tpu.memory_space<hbm>>
        tpu.enqueue_dma source(%dma_start3A_570 : memref<512xi32, #tpu.memory_space<hbm>>) target(%arg5 : memref<512xi32, #tpu.memory_space<vmem>>) target_semaphore(%arg11 : memref<!tpu.dma_semaphore, #tpu.memory_space<semaphore_mem>>)
        %add3A_571 = arith.constant 2 : i32
        %add3A_572 = arith.addi %add3A_313, %add3A_571 : i32
        %mul3A_573 = arith.constant 512 : i32
        %mul3A_574 = arith.muli %add3A_572, %mul3A_573 : i32
        %dma_wait3A_575 = tpu.memref_slice %arg2[%mul3A_574] : memref<3276800xi32, #tpu.memory_space<hbm>> -> memref<512xi32, #tpu.memory_space<hbm>>
        %dma_wait3A_576 = tpu.memref_slice %arg2[%mul3A_574] : memref<3276800xi32, #tpu.memory_space<hbm>> -> memref<512xi32, #tpu.memory_space<hbm>>
        tpu.wait_dma2 semaphore(%arg11 : memref<!tpu.dma_semaphore, #tpu.memory_space<semaphore_mem>>) src(%dma_wait3A_576 : memref<512xi32, #tpu.memory_space<hbm>>) dst(%arg5 : memref<512xi32, #tpu.memory_space<vmem>>)
        %dma_start3A_577 = arith.constant 0 : i32
        %dma_start3A_578 = arith.constant 0 : i32
        %dma_start3A_579 = tpu.memref_slice %arg3[%dma_start3A_577, %dma_start3A_578] : memref<1000000x32xf32, #tpu.memory_space<hbm>> -> memref<1000000x32xf32, #tpu.memory_space<hbm>>
        tpu.enqueue_indirect_dma source(%dma_start3A_579 : memref<1000000x32xf32, #tpu.memory_space<hbm>>) target(%arg7 : memref<512x32xf32, #tpu.memory_space<vmem>>) offsets(%arg5 : memref<512xi32, #tpu.memory_space<vmem>>) semaphore(%arg11 : memref<!tpu.dma_semaphore, #tpu.memory_space<semaphore_mem>>)
      } else {
      }
      %dma_wait3A_439 = arith.constant 0 : i32
      %dma_wait3A_440 = arith.constant 0 : i32
      %dma_wait3A_441 = tpu.memref_slice %arg3[%dma_wait3A_439, %dma_wait3A_440] : memref<1000000x32xf32, #tpu.memory_space<hbm>> -> memref<1000000x32xf32, #tpu.memory_space<hbm>>
      tpu.wait_indirect_dma semaphore(%arg12 : memref<!tpu.dma_semaphore, #tpu.memory_space<semaphore_mem>>) src(%dma_wait3A_441 : memref<1000000x32xf32, #tpu.memory_space<hbm>>) dst(%arg8 : memref<512x32xf32, #tpu.memory_space<vmem>>)
      %gt3A_442 = arith.constant 0 : i32
      %gt3A_443 = arith.cmpi sgt, %scan3A_310, %gt3A_442 : i32
      %convert_element_type3A_444 = arith.extui %gt3A_443 : i1 to i32
      %cond3A_445 = arith.constant 0 : i32
      %cond3A_446 = arith.cmpi ne, %convert_element_type3A_444, %cond3A_445 : i32
      scf.if %cond3A_446 {
        %sub3A_565 = arith.constant 2 : i32
        %sub3A_566 = arith.subi %add3A_315, %sub3A_565 : i32
        %jit3A_567 = arith.constant 256 : i32
        %div3A_568 = arith.divsi %sub3A_566, %jit3A_567 : i32
        %sign3A_569 = arith.constant 0 : i32
        %sign3A_570 = arith.cmpi sgt, %sub3A_566, %sign3A_569 : i32
        %sign3A_571 = arith.extui %sign3A_570 : i1 to i32
        %sign3A_572 = arith.constant 0 : i32
        %sign3A_573 = arith.cmpi slt, %sub3A_566, %sign3A_572 : i32
        %sign3A_574 = arith.extui %sign3A_573 : i1 to i32
        %sign3A_575 = arith.subi %sign3A_571, %sign3A_574 : i32
        %sign3A_576 = arith.constant 0 : i32
        %sign3A_577 = arith.cmpi sgt, %jit3A_567, %sign3A_576 : i32
        %sign3A_578 = arith.extui %sign3A_577 : i1 to i32
        %sign3A_579 = arith.constant 0 : i32
        %sign3A_580 = arith.cmpi slt, %jit3A_567, %sign3A_579 : i32
        %sign3A_581 = arith.extui %sign3A_580 : i1 to i32
        %sign3A_582 = arith.subi %sign3A_578, %sign3A_581 : i32
        %ne3A_583 = arith.cmpi ne, %sign3A_575, %sign3A_582 : i32
        %rem3A_584 = arith.remsi %sub3A_566, %jit3A_567 : i32
        %ne3A_585 = arith.constant 0 : i32
        %ne3A_586 = arith.cmpi ne, %rem3A_584, %ne3A_585 : i32
        %and3A_587 = arith.andi %ne3A_583, %ne3A_586 : i1
        %sub3A_588 = arith.constant 1 : i32
        %sub3A_589 = arith.subi %div3A_568, %sub3A_588 : i32
        %select_n3A_590 = arith.select %and3A_587, %sub3A_589, %div3A_568 : i32
        %jit3A_591 = arith.constant 256 : i32
        %eq3A_592 = arith.constant 0 : i32
        %eq3A_593 = arith.cmpi eq, %jit3A_591, %eq3A_592 : i32
        %jit3A_594 = arith.constant 1 : i32
        %select_n3A_595 = arith.select %eq3A_593, %jit3A_594, %jit3A_591 : i32
        %rem3A_596 = arith.remsi %sub3A_566, %select_n3A_595 : i32
        %ne3A_597 = arith.constant 0 : i32
        %ne3A_598 = arith.cmpi ne, %rem3A_596, %ne3A_597 : i32
        %lt3A_599 = arith.constant 0 : i32
        %lt3A_600 = arith.cmpi slt, %rem3A_596, %lt3A_599 : i32
        %lt3A_601 = arith.constant 0 : i32
        %lt3A_602 = arith.cmpi slt, %select_n3A_595, %lt3A_601 : i32
        %ne3A_603 = arith.xori %lt3A_600, %lt3A_602 : i1
        %and3A_604 = arith.andi %ne3A_603, %ne3A_598 : i1
        %add3A_605 = arith.addi %rem3A_596, %select_n3A_595 : i32
        %select_n3A_606 = arith.select %and3A_604, %add3A_605, %rem3A_596 : i32
        %jit3A_607 = arith.constant 2 : i32
        %div3A_608 = arith.divsi %select_n3A_606, %jit3A_607 : i32
        %sign3A_609 = arith.constant 0 : i32
        %sign3A_610 = arith.cmpi sgt, %select_n3A_606, %sign3A_609 : i32
        %sign3A_611 = arith.extui %sign3A_610 : i1 to i32
        %sign3A_612 = arith.constant 0 : i32
        %sign3A_613 = arith.cmpi slt, %select_n3A_606, %sign3A_612 : i32
        %sign3A_614 = arith.extui %sign3A_613 : i1 to i32
        %sign3A_615 = arith.subi %sign3A_611, %sign3A_614 : i32
        %sign3A_616 = arith.constant 0 : i32
        %sign3A_617 = arith.cmpi sgt, %jit3A_607, %sign3A_616 : i32
        %sign3A_618 = arith.extui %sign3A_617 : i1 to i32
        %sign3A_619 = arith.constant 0 : i32
        %sign3A_620 = arith.cmpi slt, %jit3A_607, %sign3A_619 : i32
        %sign3A_621 = arith.extui %sign3A_620 : i1 to i32
        %sign3A_622 = arith.subi %sign3A_618, %sign3A_621 : i32
        %ne3A_623 = arith.cmpi ne, %sign3A_615, %sign3A_622 : i32
        %rem3A_624 = arith.remsi %select_n3A_606, %jit3A_607 : i32
        %ne3A_625 = arith.constant 0 : i32
        %ne3A_626 = arith.cmpi ne, %rem3A_624, %ne3A_625 : i32
        %and3A_627 = arith.andi %ne3A_623, %ne3A_626 : i1
        %sub3A_628 = arith.constant 1 : i32
        %sub3A_629 = arith.subi %div3A_608, %sub3A_628 : i32
        %select_n3A_630 = arith.select %and3A_627, %sub3A_629, %div3A_608 : i32
        %jit3A_631 = arith.constant 2 : i32
        %eq3A_632 = arith.constant 0 : i32
        %eq3A_633 = arith.cmpi eq, %jit3A_631, %eq3A_632 : i32
        %jit3A_634 = arith.constant 1 : i32
        %select_n3A_635 = arith.select %eq3A_633, %jit3A_634, %jit3A_631 : i32
        %rem3A_636 = arith.remsi %select_n3A_606, %select_n3A_635 : i32
        %ne3A_637 = arith.constant 0 : i32
        %ne3A_638 = arith.cmpi ne, %rem3A_636, %ne3A_637 : i32
        %lt3A_639 = arith.constant 0 : i32
        %lt3A_640 = arith.cmpi slt, %rem3A_636, %lt3A_639 : i32
        %lt3A_641 = arith.constant 0 : i32
        %lt3A_642 = arith.cmpi slt, %select_n3A_635, %lt3A_641 : i32
        %ne3A_643 = arith.xori %lt3A_640, %lt3A_642 : i1
        %and3A_644 = arith.andi %ne3A_643, %ne3A_638 : i1
        %add3A_645 = arith.addi %rem3A_636, %select_n3A_635 : i32
        %select_n3A_646 = arith.select %and3A_644, %add3A_645, %rem3A_636 : i32
        %mul3A_647 = arith.constant 8 : i32
        %mul3A_648 = arith.muli %select_n3A_590, %mul3A_647 : i32
        %mul3A_649 = arith.constant 4 : i32
        %mul3A_650 = arith.muli %select_n3A_646, %mul3A_649 : i32
        %add3A_651 = arith.addi %mul3A_648, %mul3A_650 : i32
        %dma_wait3A_652 = arith.constant 0 : i32
        %dma_wait3A_653 = arith.constant 0 : i32
        %dma_wait3A_654 = arith.constant 0 : i32
        %dma_wait3A_655 = arith.constant 0 : i32
        %dma_wait3A_656 = tpu.memref_slice %arg10[%dma_wait3A_652, %dma_wait3A_653, %dma_wait3A_654, %dma_wait3A_655] : memref<4x4x8x129xf32, #tpu.memory_space<vmem>> -> memref<4x4x8x128xf32, #tpu.memory_space<vmem>>
        %dma_wait3A_657 = arith.constant 0 : i32
        %dma_wait3A_658 = arith.constant 0 : i32
        %dma_wait3A_659 = arith.constant 0 : i32
        %dma_wait3A_660 = tpu.memref_slice %arg4[%add3A_651, %dma_wait3A_657, %select_n3A_630, %dma_wait3A_658, %dma_wait3A_659] : memref<200x4x128x8x128xf32, #tpu.memory_space<hbm>> -> memref<4x4x1x8x128xf32, #tpu.memory_space<hbm>>
        %dma_wait3A_661 = tpu.memref_squeeze %dma_wait3A_660 : memref<4x4x1x8x128xf32, #tpu.memory_space<hbm>> -> memref<4x4x8x128xf32, #tpu.memory_space<hbm>>
        %dma_wait3A_662 = arith.constant 0 : i32
        %dma_wait3A_663 = arith.constant 0 : i32
        %dma_wait3A_664 = arith.constant 0 : i32
        %dma_wait3A_665 = tpu.memref_slice %arg4[%add3A_651, %dma_wait3A_662, %select_n3A_630, %dma_wait3A_663, %dma_wait3A_664] : memref<200x4x128x8x128xf32, #tpu.memory_space<hbm>> -> memref<4x4x1x8x128xf32, #tpu.memory_space<hbm>>
        %dma_wait3A_666 = tpu.memref_squeeze %dma_wait3A_665 : memref<4x4x1x8x128xf32, #tpu.memory_space<hbm>> -> memref<4x4x8x128xf32, #tpu.memory_space<hbm>>
        %dma_wait3A_667 = arith.constant 0 : i32
        %dma_wait3A_668 = arith.constant 0 : i32
        %dma_wait3A_669 = arith.constant 0 : i32
        %dma_wait3A_670 = arith.constant 0 : i32
        %dma_wait3A_671 = tpu.memref_slice %arg10[%dma_wait3A_667, %dma_wait3A_668, %dma_wait3A_669, %dma_wait3A_670] : memref<4x4x8x129xf32, #tpu.memory_space<vmem>> -> memref<4x4x8x128xf32, #tpu.memory_space<vmem>>
        tpu.wait_dma2 semaphore(%arg14 : memref<!tpu.dma_semaphore, #tpu.memory_space<semaphore_mem>>) src(%dma_wait3A_671 : memref<4x4x8x128xf32, #tpu.memory_space<vmem>>) dst(%dma_wait3A_666 : memref<4x4x8x128xf32, #tpu.memory_space<hbm>>)
      } else {
      }
      %scan3A_447 = arith.constant 0 : i32
      %scan3A_448 = arith.constant 0 : i32
      %scan3A_449 = arith.constant 4 : i32
      %scan3A_450 = arith.addi %scan3A_448, %scan3A_449 : i32
      %scan3A_451 = arith.constant 1 : i32
      scf.for %scan3A_565 = %scan3A_448 to %scan3A_450 step %scan3A_451  : i32 {
        %broadcast_in_dim3A = vector.broadcast %scan3A_565 : i32 to vector<16xi32>
        %mul3A_566 = arith.constant 128 : i32
        %mul3A_567 = arith.muli %scan3A_565, %mul3A_566 : i32
        %scan3A_568 = arith.constant 0 : i32
        %scan3A_569 = arith.constant 0 : i32
        %scan3A_570 = arith.constant 16 : i32
        %scan3A_571 = arith.addi %scan3A_569, %scan3A_570 : i32
        %scan3A_572 = arith.constant 1 : i32
        scf.for %scan3A_574 = %scan3A_569 to %scan3A_571 step %scan3A_572  : i32 {
          %mul3A_575 = arith.constant 8 : i32
          %mul3A_576 = arith.muli %scan3A_574, %mul3A_575 : i32
          %add3A_577 = arith.constant 0 : i32
          %add3A_578 = arith.addi %mul3A_576, %add3A_577 : i32
          %add3A_579 = arith.addi %mul3A_567, %add3A_578 : i32
          %broadcast_in_dim3A_580 = vector.broadcast %add3A_578 : i32 to vector<16xi32>
          %get3A = arith.index_cast %add3A_579 : i32 to index
          %get3A_581 = arith.constant 0 : index
          %get3A_582 = tpu.vector_load %arg8[%get3A, %get3A_581] {strides = array<i32>} : memref<512x32xf32, #tpu.memory_space<vmem>>, vector<16xf32>,
          tpu.vector_store_idx %arg10[%broadcast_in_dim3A, %select_n3A, %rem3A_28, %broadcast_in_dim3A_580], %get3A_582 : memref<4x4x8x129xf32, #tpu.memory_space<vmem>>[vector<16xi32>, vector<16xi32>, vector<16xi32>, vector<16xi32>], vector<16xf32>,
          %get3A_583 = arith.index_cast %add3A_579 : i32 to index
          %get3A_584 = arith.constant 16 : index
          %get3A_585 = tpu.vector_load %arg8[%get3A_583, %get3A_584] {strides = array<i32>} : memref<512x32xf32, #tpu.memory_space<vmem>>, vector<16xf32>,
          tpu.vector_store_idx %arg10[%broadcast_in_dim3A, %select_n3A_62, %rem3A_68, %broadcast_in_dim3A_580], %get3A_585 : memref<4x4x8x129xf32, #tpu.memory_space<vmem>>[vector<16xi32>, vector<16xi32>, vector<16xi32>, vector<16xi32>], vector<16xf32>,
          %mul3A_586 = arith.constant 8 : i32
          %mul3A_587 = arith.muli %scan3A_574, %mul3A_586 : i32
          %add3A_588 = arith.constant 1 : i32
          %add3A_589 = arith.addi %mul3A_587, %add3A_588 : i32
          %add3A_590 = arith.addi %mul3A_567, %add3A_589 : i32
          %broadcast_in_dim3A_591 = vector.broadcast %add3A_589 : i32 to vector<16xi32>
          %get3A_592 = arith.index_cast %add3A_590 : i32 to index
          %get3A_593 = arith.constant 0 : index
          %get3A_594 = tpu.vector_load %arg8[%get3A_592, %get3A_593] {strides = array<i32>} : memref<512x32xf32, #tpu.memory_space<vmem>>, vector<16xf32>,
          tpu.vector_store_idx %arg10[%broadcast_in_dim3A, %select_n3A, %rem3A_28, %broadcast_in_dim3A_591], %get3A_594 : memref<4x4x8x129xf32, #tpu.memory_space<vmem>>[vector<16xi32>, vector<16xi32>, vector<16xi32>, vector<16xi32>], vector<16xf32>,
          %get3A_595 = arith.index_cast %add3A_590 : i32 to index
          %get3A_596 = arith.constant 16 : index
          %get3A_597 = tpu.vector_load %arg8[%get3A_595, %get3A_596] {strides = array<i32>} : memref<512x32xf32, #tpu.memory_space<vmem>>, vector<16xf32>,
          tpu.vector_store_idx %arg10[%broadcast_in_dim3A, %select_n3A_62, %rem3A_68, %broadcast_in_dim3A_591], %get3A_597 : memref<4x4x8x129xf32, #tpu.memory_space<vmem>>[vector<16xi32>, vector<16xi32>, vector<16xi32>, vector<16xi32>], vector<16xf32>,
          %mul3A_598 = arith.constant 8 : i32
          %mul3A_599 = arith.muli %scan3A_574, %mul3A_598 : i32
          %add3A_600 = arith.constant 2 : i32
          %add3A_601 = arith.addi %mul3A_599, %add3A_600 : i32
          %add3A_602 = arith.addi %mul3A_567, %add3A_601 : i32
          %broadcast_in_dim3A_603 = vector.broadcast %add3A_601 : i32 to vector<16xi32>
          %get3A_604 = arith.index_cast %add3A_602 : i32 to index
          %get3A_605 = arith.constant 0 : index
          %get3A_606 = tpu.vector_load %arg8[%get3A_604, %get3A_605] {strides = array<i32>} : memref<512x32xf32, #tpu.memory_space<vmem>>, vector<16xf32>,
          tpu.vector_store_idx %arg10[%broadcast_in_dim3A, %select_n3A, %rem3A_28, %broadcast_in_dim3A_603], %get3A_606 : memref<4x4x8x129xf32, #tpu.memory_space<vmem>>[vector<16xi32>, vector<16xi32>, vector<16xi32>, vector<16xi32>], vector<16xf32>,
          %get3A_607 = arith.index_cast %add3A_602 : i32 to index
          %get3A_608 = arith.constant 16 : index
          %get3A_609 = tpu.vector_load %arg8[%get3A_607, %get3A_608] {strides = array<i32>} : memref<512x32xf32, #tpu.memory_space<vmem>>, vector<16xf32>,
          tpu.vector_store_idx %arg10[%broadcast_in_dim3A, %select_n3A_62, %rem3A_68, %broadcast_in_dim3A_603], %get3A_609 : memref<4x4x8x129xf32, #tpu.memory_space<vmem>>[vector<16xi32>, vector<16xi32>, vector<16xi32>, vector<16xi32>], vector<16xf32>,
          %mul3A_610 = arith.constant 8 : i32
          %mul3A_611 = arith.muli %scan3A_574, %mul3A_610 : i32
          %add3A_612 = arith.constant 3 : i32
          %add3A_613 = arith.addi %mul3A_611, %add3A_612 : i32
          %add3A_614 = arith.addi %mul3A_567, %add3A_613 : i32
          %broadcast_in_dim3A_615 = vector.broadcast %add3A_613 : i32 to vector<16xi32>
          %get3A_616 = arith.index_cast %add3A_614 : i32 to index
          %get3A_617 = arith.constant 0 : index
          %get3A_618 = tpu.vector_load %arg8[%get3A_616, %get3A_617] {strides = array<i32>} : memref<512x32xf32, #tpu.memory_space<vmem>>, vector<16xf32>,
          tpu.vector_store_idx %arg10[%broadcast_in_dim3A, %select_n3A, %rem3A_28, %broadcast_in_dim3A_615], %get3A_618 : memref<4x4x8x129xf32, #tpu.memory_space<vmem>>[vector<16xi32>, vector<16xi32>, vector<16xi32>, vector<16xi32>], vector<16xf32>,
          %get3A_619 = arith.index_cast %add3A_614 : i32 to index
          %get3A_620 = arith.constant 16 : index
          %get3A_621 = tpu.vector_load %arg8[%get3A_619, %get3A_620] {strides = array<i32>} : memref<512x32xf32, #tpu.memory_space<vmem>>, vector<16xf32>,
          tpu.vector_store_idx %arg10[%broadcast_in_dim3A, %select_n3A_62, %rem3A_68, %broadcast_in_dim3A_615], %get3A_621 : memref<4x4x8x129xf32, #tpu.memory_space<vmem>>[vector<16xi32>, vector<16xi32>, vector<16xi32>, vector<16xi32>], vector<16xf32>,
          %mul3A_622 = arith.constant 8 : i32
          %mul3A_623 = arith.muli %scan3A_574, %mul3A_622 : i32
          %add3A_624 = arith.constant 4 : i32
          %add3A_625 = arith.addi %mul3A_623, %add3A_624 : i32
          %add3A_626 = arith.addi %mul3A_567, %add3A_625 : i32
          %broadcast_in_dim3A_627 = vector.broadcast %add3A_625 : i32 to vector<16xi32>
          %get3A_628 = arith.index_cast %add3A_626 : i32 to index
          %get3A_629 = arith.constant 0 : index
          %get3A_630 = tpu.vector_load %arg8[%get3A_628, %get3A_629] {strides = array<i32>} : memref<512x32xf32, #tpu.memory_space<vmem>>, vector<16xf32>,
          tpu.vector_store_idx %arg10[%broadcast_in_dim3A, %select_n3A, %rem3A_28, %broadcast_in_dim3A_627], %get3A_630 : memref<4x4x8x129xf32, #tpu.memory_space<vmem>>[vector<16xi32>, vector<16xi32>, vector<16xi32>, vector<16xi32>], vector<16xf32>,
          %get3A_631 = arith.index_cast %add3A_626 : i32 to index
          %get3A_632 = arith.constant 16 : index
          %get3A_633 = tpu.vector_load %arg8[%get3A_631, %get3A_632] {strides = array<i32>} : memref<512x32xf32, #tpu.memory_space<vmem>>, vector<16xf32>,
          tpu.vector_store_idx %arg10[%broadcast_in_dim3A, %select_n3A_62, %rem3A_68, %broadcast_in_dim3A_627], %get3A_633 : memref<4x4x8x129xf32, #tpu.memory_space<vmem>>[vector<16xi32>, vector<16xi32>, vector<16xi32>, vector<16xi32>], vector<16xf32>,
          %mul3A_634 = arith.constant 8 : i32
          %mul3A_635 = arith.muli %scan3A_574, %mul3A_634 : i32
          %add3A_636 = arith.constant 5 : i32
          %add3A_637 = arith.addi %mul3A_635, %add3A_636 : i32
          %add3A_638 = arith.addi %mul3A_567, %add3A_637 : i32
          %broadcast_in_dim3A_639 = vector.broadcast %add3A_637 : i32 to vector<16xi32>
          %get3A_640 = arith.index_cast %add3A_638 : i32 to index
          %get3A_641 = arith.constant 0 : index
          %get3A_642 = tpu.vector_load %arg8[%get3A_640, %get3A_641] {strides = array<i32>} : memref<512x32xf32, #tpu.memory_space<vmem>>, vector<16xf32>,
          tpu.vector_store_idx %arg10[%broadcast_in_dim3A, %select_n3A, %rem3A_28, %broadcast_in_dim3A_639], %get3A_642 : memref<4x4x8x129xf32, #tpu.memory_space<vmem>>[vector<16xi32>, vector<16xi32>, vector<16xi32>, vector<16xi32>], vector<16xf32>,
          %get3A_643 = arith.index_cast %add3A_638 : i32 to index
          %get3A_644 = arith.constant 16 : index
          %get3A_645 = tpu.vector_load %arg8[%get3A_643, %get3A_644] {strides = array<i32>} : memref<512x32xf32, #tpu.memory_space<vmem>>, vector<16xf32>,
          tpu.vector_store_idx %arg10[%broadcast_in_dim3A, %select_n3A_62, %rem3A_68, %broadcast_in_dim3A_639], %get3A_645 : memref<4x4x8x129xf32, #tpu.memory_space<vmem>>[vector<16xi32>, vector<16xi32>, vector<16xi32>, vector<16xi32>], vector<16xf32>,
          %mul3A_646 = arith.constant 8 : i32
          %mul3A_647 = arith.muli %scan3A_574, %mul3A_646 : i32
          %add3A_648 = arith.constant 6 : i32
          %add3A_649 = arith.addi %mul3A_647, %add3A_648 : i32
          %add3A_650 = arith.addi %mul3A_567, %add3A_649 : i32
          %broadcast_in_dim3A_651 = vector.broadcast %add3A_649 : i32 to vector<16xi32>
          %get3A_652 = arith.index_cast %add3A_650 : i32 to index
          %get3A_653 = arith.constant 0 : index
          %get3A_654 = tpu.vector_load %arg8[%get3A_652, %get3A_653] {strides = array<i32>} : memref<512x32xf32, #tpu.memory_space<vmem>>, vector<16xf32>,
          tpu.vector_store_idx %arg10[%broadcast_in_dim3A, %select_n3A, %rem3A_28, %broadcast_in_dim3A_651], %get3A_654 : memref<4x4x8x129xf32, #tpu.memory_space<vmem>>[vector<16xi32>, vector<16xi32>, vector<16xi32>, vector<16xi32>], vector<16xf32>,
          %get3A_655 = arith.index_cast %add3A_650 : i32 to index
          %get3A_656 = arith.constant 16 : index
          %get3A_657 = tpu.vector_load %arg8[%get3A_655, %get3A_656] {strides = array<i32>} : memref<512x32xf32, #tpu.memory_space<vmem>>, vector<16xf32>,
          tpu.vector_store_idx %arg10[%broadcast_in_dim3A, %select_n3A_62, %rem3A_68, %broadcast_in_dim3A_651], %get3A_657 : memref<4x4x8x129xf32, #tpu.memory_space<vmem>>[vector<16xi32>, vector<16xi32>, vector<16xi32>, vector<16xi32>], vector<16xf32>,
          %mul3A_658 = arith.constant 8 : i32
          %mul3A_659 = arith.muli %scan3A_574, %mul3A_658 : i32
          %add3A_660 = arith.constant 7 : i32
          %add3A_661 = arith.addi %mul3A_659, %add3A_660 : i32
          %add3A_662 = arith.addi %mul3A_567, %add3A_661 : i32
          %broadcast_in_dim3A_663 = vector.broadcast %add3A_661 : i32 to vector<16xi32>
          %get3A_664 = arith.index_cast %add3A_662 : i32 to index
          %get3A_665 = arith.constant 0 : index
          %get3A_666 = tpu.vector_load %arg8[%get3A_664, %get3A_665] {strides = array<i32>} : memref<512x32xf32, #tpu.memory_space<vmem>>, vector<16xf32>,
          tpu.vector_store_idx %arg10[%broadcast_in_dim3A, %select_n3A, %rem3A_28, %broadcast_in_dim3A_663], %get3A_666 : memref<4x4x8x129xf32, #tpu.memory_space<vmem>>[vector<16xi32>, vector<16xi32>, vector<16xi32>, vector<16xi32>], vector<16xf32>,
          %get3A_667 = arith.index_cast %add3A_662 : i32 to index
          %get3A_668 = arith.constant 16 : index
          %get3A_669 = tpu.vector_load %arg8[%get3A_667, %get3A_668] {strides = array<i32>} : memref<512x32xf32, #tpu.memory_space<vmem>>, vector<16xf32>,
          tpu.vector_store_idx %arg10[%broadcast_in_dim3A, %select_n3A_62, %rem3A_68, %broadcast_in_dim3A_663], %get3A_669 : memref<4x4x8x129xf32, #tpu.memory_space<vmem>>[vector<16xi32>, vector<16xi32>, vector<16xi32>, vector<16xi32>], vector<16xf32>,
        }
        %scan3A_573 = arith.constant 16 : i32
      }
      %scan3A_452 = arith.constant 4 : i32
      %jit3A_453 = arith.constant 256 : i32
      %div3A_454 = arith.divsi %add3A_315, %jit3A_453 : i32
      %sign3A_455 = arith.constant 0 : i32
      %sign3A_456 = arith.cmpi sgt, %add3A_315, %sign3A_455 : i32
      %sign3A_457 = arith.extui %sign3A_456 : i1 to i32
      %sign3A_458 = arith.constant 0 : i32
      %sign3A_459 = arith.cmpi slt, %add3A_315, %sign3A_458 : i32
      %sign3A_460 = arith.extui %sign3A_459 : i1 to i32
      %sign3A_461 = arith.subi %sign3A_457, %sign3A_460 : i32
      %sign3A_462 = arith.constant 0 : i32
      %sign3A_463 = arith.cmpi sgt, %jit3A_453, %sign3A_462 : i32
      %sign3A_464 = arith.extui %sign3A_463 : i1 to i32
      %sign3A_465 = arith.constant 0 : i32
      %sign3A_466 = arith.cmpi slt, %jit3A_453, %sign3A_465 : i32
      %sign3A_467 = arith.extui %sign3A_466 : i1 to i32
      %sign3A_468 = arith.subi %sign3A_464, %sign3A_467 : i32
      %ne3A_469 = arith.cmpi ne, %sign3A_461, %sign3A_468 : i32
      %rem3A_470 = arith.remsi %add3A_315, %jit3A_453 : i32
      %ne3A_471 = arith.constant 0 : i32
      %ne3A_472 = arith.cmpi ne, %rem3A_470, %ne3A_471 : i32
      %and3A_473 = arith.andi %ne3A_469, %ne3A_472 : i1
      %sub3A_474 = arith.constant 1 : i32
      %sub3A_475 = arith.subi %div3A_454, %sub3A_474 : i32
      %select_n3A_476 = arith.select %and3A_473, %sub3A_475, %div3A_454 : i32
      %jit3A_477 = arith.constant 256 : i32
      %eq3A_478 = arith.constant 0 : i32
      %eq3A_479 = arith.cmpi eq, %jit3A_477, %eq3A_478 : i32
      %jit3A_480 = arith.constant 1 : i32
      %select_n3A_481 = arith.select %eq3A_479, %jit3A_480, %jit3A_477 : i32
      %rem3A_482 = arith.remsi %add3A_315, %select_n3A_481 : i32
      %ne3A_483 = arith.constant 0 : i32
      %ne3A_484 = arith.cmpi ne, %rem3A_482, %ne3A_483 : i32
      %lt3A_485 = arith.constant 0 : i32
      %lt3A_486 = arith.cmpi slt, %rem3A_482, %lt3A_485 : i32
      %lt3A_487 = arith.constant 0 : i32
      %lt3A_488 = arith.cmpi slt, %select_n3A_481, %lt3A_487 : i32
      %ne3A_489 = arith.xori %lt3A_486, %lt3A_488 : i1
      %and3A_490 = arith.andi %ne3A_489, %ne3A_484 : i1
      %add3A_491 = arith.addi %rem3A_482, %select_n3A_481 : i32
      %select_n3A_492 = arith.select %and3A_490, %add3A_491, %rem3A_482 : i32
      %jit3A_493 = arith.constant 2 : i32
      %div3A_494 = arith.divsi %select_n3A_492, %jit3A_493 : i32
      %sign3A_495 = arith.constant 0 : i32
      %sign3A_496 = arith.cmpi sgt, %select_n3A_492, %sign3A_495 : i32
      %sign3A_497 = arith.extui %sign3A_496 : i1 to i32
      %sign3A_498 = arith.constant 0 : i32
      %sign3A_499 = arith.cmpi slt, %select_n3A_492, %sign3A_498 : i32
      %sign3A_500 = arith.extui %sign3A_499 : i1 to i32
      %sign3A_501 = arith.subi %sign3A_497, %sign3A_500 : i32
      %sign3A_502 = arith.constant 0 : i32
      %sign3A_503 = arith.cmpi sgt, %jit3A_493, %sign3A_502 : i32
      %sign3A_504 = arith.extui %sign3A_503 : i1 to i32
      %sign3A_505 = arith.constant 0 : i32
      %sign3A_506 = arith.cmpi slt, %jit3A_493, %sign3A_505 : i32
      %sign3A_507 = arith.extui %sign3A_506 : i1 to i32
      %sign3A_508 = arith.subi %sign3A_504, %sign3A_507 : i32
      %ne3A_509 = arith.cmpi ne, %sign3A_501, %sign3A_508 : i32
      %rem3A_510 = arith.remsi %select_n3A_492, %jit3A_493 : i32
      %ne3A_511 = arith.constant 0 : i32
      %ne3A_512 = arith.cmpi ne, %rem3A_510, %ne3A_511 : i32
      %and3A_513 = arith.andi %ne3A_509, %ne3A_512 : i1
      %sub3A_514 = arith.constant 1 : i32
      %sub3A_515 = arith.subi %div3A_494, %sub3A_514 : i32
      %select_n3A_516 = arith.select %and3A_513, %sub3A_515, %div3A_494 : i32
      %jit3A_517 = arith.constant 2 : i32
      %eq3A_518 = arith.constant 0 : i32
      %eq3A_519 = arith.cmpi eq, %jit3A_517, %eq3A_518 : i32
      %jit3A_520 = arith.constant 1 : i32
      %select_n3A_521 = arith.select %eq3A_519, %jit3A_520, %jit3A_517 : i32
      %rem3A_522 = arith.remsi %select_n3A_492, %select_n3A_521 : i32
      %ne3A_523 = arith.constant 0 : i32
      %ne3A_524 = arith.cmpi ne, %rem3A_522, %ne3A_523 : i32
      %lt3A_525 = arith.constant 0 : i32
      %lt3A_526 = arith.cmpi slt, %rem3A_522, %lt3A_525 : i32
      %lt3A_527 = arith.constant 0 : i32
      %lt3A_528 = arith.cmpi slt, %select_n3A_521, %lt3A_527 : i32
      %ne3A_529 = arith.xori %lt3A_526, %lt3A_528 : i1
      %and3A_530 = arith.andi %ne3A_529, %ne3A_524 : i1
      %add3A_531 = arith.addi %rem3A_522, %select_n3A_521 : i32
      %select_n3A_532 = arith.select %and3A_530, %add3A_531, %rem3A_522 : i32
      %mul3A_533 = arith.constant 8 : i32
      %mul3A_534 = arith.muli %select_n3A_476, %mul3A_533 : i32
      %mul3A_535 = arith.constant 4 : i32
      %mul3A_536 = arith.muli %select_n3A_532, %mul3A_535 : i32
      %add3A_537 = arith.addi %mul3A_534, %mul3A_536 : i32
      %dma_start3A_538 = arith.constant 0 : i32
      %dma_start3A_539 = arith.constant 0 : i32
      %dma_start3A_540 = arith.constant 0 : i32
      %dma_start3A_541 = arith.constant 0 : i32
      %dma_start3A_542 = tpu.memref_slice %arg10[%dma_start3A_538, %dma_start3A_539, %dma_start3A_540, %dma_start3A_541] : memref<4x4x8x129xf32, #tpu.memory_space<vmem>> -> memref<4x4x8x128xf32, #tpu.memory_space<vmem>>
      %dma_start3A_543 = arith.constant 0 : i32
      %dma_start3A_544 = arith.constant 0 : i32
      %dma_start3A_545 = arith.constant 0 : i32
      %dma_start3A_546 = tpu.memref_slice %arg4[%add3A_537, %dma_start3A_543, %select_n3A_516, %dma_start3A_544, %dma_start3A_545] : memref<200x4x128x8x128xf32, #tpu.memory_space<hbm>> -> memref<4x4x1x8x128xf32, #tpu.memory_space<hbm>>
      %dma_start3A_547 = tpu.memref_squeeze %dma_start3A_546 : memref<4x4x1x8x128xf32, #tpu.memory_space<hbm>> -> memref<4x4x8x128xf32, #tpu.memory_space<hbm>>
      %dma_start3A_548 = arith.constant 0 : i32
      %dma_start3A_549 = arith.constant 0 : i32
      %dma_start3A_550 = arith.constant 0 : i32
      %dma_start3A_551 = tpu.memref_slice %arg4[%add3A_537, %dma_start3A_548, %select_n3A_516, %dma_start3A_549, %dma_start3A_550] : memref<200x4x128x8x128xf32, #tpu.memory_space<hbm>> -> memref<4x4x1x8x128xf32, #tpu.memory_space<hbm>>
      %dma_start3A_552 = tpu.memref_squeeze %dma_start3A_551 : memref<4x4x1x8x128xf32, #tpu.memory_space<hbm>> -> memref<4x4x8x128xf32, #tpu.memory_space<hbm>>
      %dma_start3A_553 = arith.constant 0 : i32
      %dma_start3A_554 = arith.constant 0 : i32
      %dma_start3A_555 = arith.constant 0 : i32
      %dma_start3A_556 = arith.constant 0 : i32
      %dma_start3A_557 = tpu.memref_slice %arg10[%dma_start3A_553, %dma_start3A_554, %dma_start3A_555, %dma_start3A_556] : memref<4x4x8x129xf32, #tpu.memory_space<vmem>> -> memref<4x4x8x128xf32, #tpu.memory_space<vmem>>
      tpu.enqueue_dma source(%dma_start3A_557 : memref<4x4x8x128xf32, #tpu.memory_space<vmem>>) target(%dma_start3A_552 : memref<4x4x8x128xf32, #tpu.memory_space<hbm>>) target_semaphore(%arg14 : memref<!tpu.dma_semaphore, #tpu.memory_space<semaphore_mem>>)
      %add3A_558 = arith.constant 1 : i32
      %add3A_559 = arith.addi %scan3A_310, %add3A_558 : i32
      %lt3A_560 = arith.constant 100 : i32
      %lt3A_561 = arith.cmpi slt, %add3A_559, %lt3A_560 : i32
      %convert_element_type3A_562 = arith.extui %lt3A_561 : i1 to i32
      %cond3A_563 = arith.constant 0 : i32
      %cond3A_564 = arith.cmpi ne, %convert_element_type3A_562, %cond3A_563 : i32
      scf.if %cond3A_564 {
        %add3A_565 = arith.constant 2 : i32
        %add3A_566 = arith.addi %add3A_315, %add3A_565 : i32
        %mul3A_567 = arith.constant 512 : i32
        %mul3A_568 = arith.muli %add3A_566, %mul3A_567 : i32
        %dma_start3A_569 = tpu.memref_slice %arg2[%mul3A_568] : memref<3276800xi32, #tpu.memory_space<hbm>> -> memref<512xi32, #tpu.memory_space<hbm>>
        %dma_start3A_570 = tpu.memref_slice %arg2[%mul3A_568] : memref<3276800xi32, #tpu.memory_space<hbm>> -> memref<512xi32, #tpu.memory_space<hbm>>
        tpu.enqueue_dma source(%dma_start3A_570 : memref<512xi32, #tpu.memory_space<hbm>>) target(%arg6 : memref<512xi32, #tpu.memory_space<vmem>>) target_semaphore(%arg12 : memref<!tpu.dma_semaphore, #tpu.memory_space<semaphore_mem>>)
        %add3A_571 = arith.constant 2 : i32
        %add3A_572 = arith.addi %add3A_315, %add3A_571 : i32
        %mul3A_573 = arith.constant 512 : i32
        %mul3A_574 = arith.muli %add3A_572, %mul3A_573 : i32
        %dma_wait3A_575 = tpu.memref_slice %arg2[%mul3A_574] : memref<3276800xi32, #tpu.memory_space<hbm>> -> memref<512xi32, #tpu.memory_space<hbm>>
        %dma_wait3A_576 = tpu.memref_slice %arg2[%mul3A_574] : memref<3276800xi32, #tpu.memory_space<hbm>> -> memref<512xi32, #tpu.memory_space<hbm>>
        tpu.wait_dma2 semaphore(%arg12 : memref<!tpu.dma_semaphore, #tpu.memory_space<semaphore_mem>>) src(%dma_wait3A_576 : memref<512xi32, #tpu.memory_space<hbm>>) dst(%arg6 : memref<512xi32, #tpu.memory_space<vmem>>)
        %dma_start3A_577 = arith.constant 0 : i32
        %dma_start3A_578 = arith.constant 0 : i32
        %dma_start3A_579 = tpu.memref_slice %arg3[%dma_start3A_577, %dma_start3A_578] : memref<1000000x32xf32, #tpu.memory_space<hbm>> -> memref<1000000x32xf32, #tpu.memory_space<hbm>>
        tpu.enqueue_indirect_dma source(%dma_start3A_579 : memref<1000000x32xf32, #tpu.memory_space<hbm>>) target(%arg8 : memref<512x32xf32, #tpu.memory_space<vmem>>) offsets(%arg6 : memref<512xi32, #tpu.memory_space<vmem>>) semaphore(%arg12 : memref<!tpu.dma_semaphore, #tpu.memory_space<semaphore_mem>>)
      } else {
      }
    }
    %scan3A_97 = arith.constant 100 : i32
    %add3A_98 = arith.constant 198 : i32
    %add3A_99 = arith.addi %mul3A_2, %add3A_98 : i32
    %jit3A_100 = arith.constant 256 : i32
    %div3A_101 = arith.divsi %add3A_99, %jit3A_100 : i32
    %sign3A_102 = arith.constant 0 : i32
    %sign3A_103 = arith.cmpi sgt, %add3A_99, %sign3A_102 : i32
    %sign3A_104 = arith.extui %sign3A_103 : i1 to i32
    %sign3A_105 = arith.constant 0 : i32
    %sign3A_106 = arith.cmpi slt, %add3A_99, %sign3A_105 : i32
    %sign3A_107 = arith.extui %sign3A_106 : i1 to i32
    %sign3A_108 = arith.subi %sign3A_104, %sign3A_107 : i32
    %sign3A_109 = arith.constant 0 : i32
    %sign3A_110 = arith.cmpi sgt, %jit3A_100, %sign3A_109 : i32
    %sign3A_111 = arith.extui %sign3A_110 : i1 to i32
    %sign3A_112 = arith.constant 0 : i32
    %sign3A_113 = arith.cmpi slt, %jit3A_100, %sign3A_112 : i32
    %sign3A_114 = arith.extui %sign3A_113 : i1 to i32
    %sign3A_115 = arith.subi %sign3A_111, %sign3A_114 : i32
    %ne3A_116 = arith.cmpi ne, %sign3A_108, %sign3A_115 : i32
    %rem3A_117 = arith.remsi %add3A_99, %jit3A_100 : i32
    %ne3A_118 = arith.constant 0 : i32
    %ne3A_119 = arith.cmpi ne, %rem3A_117, %ne3A_118 : i32
    %and3A_120 = arith.andi %ne3A_116, %ne3A_119 : i1
    %sub3A_121 = arith.constant 1 : i32
    %sub3A_122 = arith.subi %div3A_101, %sub3A_121 : i32
    %select_n3A_123 = arith.select %and3A_120, %sub3A_122, %div3A_101 : i32
    %jit3A_124 = arith.constant 256 : i32
    %eq3A = arith.constant 0 : i32
    %eq3A_125 = arith.cmpi eq, %jit3A_124, %eq3A : i32
    %jit3A_126 = arith.constant 1 : i32
    %select_n3A_127 = arith.select %eq3A_125, %jit3A_126, %jit3A_124 : i32
    %rem3A_128 = arith.remsi %add3A_99, %select_n3A_127 : i32
    %ne3A_129 = arith.constant 0 : i32
    %ne3A_130 = arith.cmpi ne, %rem3A_128, %ne3A_129 : i32
    %lt3A = arith.constant 0 : i32
    %lt3A_131 = arith.cmpi slt, %rem3A_128, %lt3A : i32
    %lt3A_132 = arith.constant 0 : i32
    %lt3A_133 = arith.cmpi slt, %select_n3A_127, %lt3A_132 : i32
    %ne3A_134 = arith.xori %lt3A_131, %lt3A_133 : i1
    %and3A_135 = arith.andi %ne3A_134, %ne3A_130 : i1
    %add3A_136 = arith.addi %rem3A_128, %select_n3A_127 : i32
    %select_n3A_137 = arith.select %and3A_135, %add3A_136, %rem3A_128 : i32
    %jit3A_138 = arith.constant 2 : i32
    %div3A_139 = arith.divsi %select_n3A_137, %jit3A_138 : i32
    %sign3A_140 = arith.constant 0 : i32
    %sign3A_141 = arith.cmpi sgt, %select_n3A_137, %sign3A_140 : i32
    %sign3A_142 = arith.extui %sign3A_141 : i1 to i32
    %sign3A_143 = arith.constant 0 : i32
    %sign3A_144 = arith.cmpi slt, %select_n3A_137, %sign3A_143 : i32
    %sign3A_145 = arith.extui %sign3A_144 : i1 to i32
    %sign3A_146 = arith.subi %sign3A_142, %sign3A_145 : i32
    %sign3A_147 = arith.constant 0 : i32
    %sign3A_148 = arith.cmpi sgt, %jit3A_138, %sign3A_147 : i32
    %sign3A_149 = arith.extui %sign3A_148 : i1 to i32
    %sign3A_150 = arith.constant 0 : i32
    %sign3A_151 = arith.cmpi slt, %jit3A_138, %sign3A_150 : i32
    %sign3A_152 = arith.extui %sign3A_151 : i1 to i32
    %sign3A_153 = arith.subi %sign3A_149, %sign3A_152 : i32
    %ne3A_154 = arith.cmpi ne, %sign3A_146, %sign3A_153 : i32
    %rem3A_155 = arith.remsi %select_n3A_137, %jit3A_138 : i32
    %ne3A_156 = arith.constant 0 : i32
    %ne3A_157 = arith.cmpi ne, %rem3A_155, %ne3A_156 : i32
    %and3A_158 = arith.andi %ne3A_154, %ne3A_157 : i1
    %sub3A_159 = arith.constant 1 : i32
    %sub3A_160 = arith.subi %div3A_139, %sub3A_159 : i32
    %select_n3A_161 = arith.select %and3A_158, %sub3A_160, %div3A_139 : i32
    %jit3A_162 = arith.constant 2 : i32
    %eq3A_163 = arith.constant 0 : i32
    %eq3A_164 = arith.cmpi eq, %jit3A_162, %eq3A_163 : i32
    %jit3A_165 = arith.constant 1 : i32
    %select_n3A_166 = arith.select %eq3A_164, %jit3A_165, %jit3A_162 : i32
    %rem3A_167 = arith.remsi %select_n3A_137, %select_n3A_166 : i32
    %ne3A_168 = arith.constant 0 : i32
    %ne3A_169 = arith.cmpi ne, %rem3A_167, %ne3A_168 : i32
    %lt3A_170 = arith.constant 0 : i32
    %lt3A_171 = arith.cmpi slt, %rem3A_167, %lt3A_170 : i32
    %lt3A_172 = arith.constant 0 : i32
    %lt3A_173 = arith.cmpi slt, %select_n3A_166, %lt3A_172 : i32
    %ne3A_174 = arith.xori %lt3A_171, %lt3A_173 : i1
    %and3A_175 = arith.andi %ne3A_174, %ne3A_169 : i1
    %add3A_176 = arith.addi %rem3A_167, %select_n3A_166 : i32
    %select_n3A_177 = arith.select %and3A_175, %add3A_176, %rem3A_167 : i32
    %mul3A_178 = arith.constant 8 : i32
    %mul3A_179 = arith.muli %select_n3A_123, %mul3A_178 : i32
    %mul3A_180 = arith.constant 4 : i32
    %mul3A_181 = arith.muli %select_n3A_177, %mul3A_180 : i32
    %add3A_182 = arith.addi %mul3A_179, %mul3A_181 : i32
    %dma_wait3A_183 = arith.constant 0 : i32
    %dma_wait3A_184 = arith.constant 0 : i32
    %dma_wait3A_185 = arith.constant 0 : i32
    %dma_wait3A_186 = arith.constant 0 : i32
    %dma_wait3A_187 = tpu.memref_slice %arg9[%dma_wait3A_183, %dma_wait3A_184, %dma_wait3A_185, %dma_wait3A_186] : memref<4x4x8x129xf32, #tpu.memory_space<vmem>> -> memref<4x4x8x128xf32, #tpu.memory_space<vmem>>
    %dma_wait3A_188 = arith.constant 0 : i32
    %dma_wait3A_189 = arith.constant 0 : i32
    %dma_wait3A_190 = arith.constant 0 : i32
    %dma_wait3A_191 = tpu.memref_slice %arg4[%add3A_182, %dma_wait3A_188, %select_n3A_161, %dma_wait3A_189, %dma_wait3A_190] : memref<200x4x128x8x128xf32, #tpu.memory_space<hbm>> -> memref<4x4x1x8x128xf32, #tpu.memory_space<hbm>>
    %dma_wait3A_192 = tpu.memref_squeeze %dma_wait3A_191 : memref<4x4x1x8x128xf32, #tpu.memory_space<hbm>> -> memref<4x4x8x128xf32, #tpu.memory_space<hbm>>
    %dma_wait3A_193 = arith.constant 0 : i32
    %dma_wait3A_194 = arith.constant 0 : i32
    %dma_wait3A_195 = arith.constant 0 : i32
    %dma_wait3A_196 = tpu.memref_slice %arg4[%add3A_182, %dma_wait3A_193, %select_n3A_161, %dma_wait3A_194, %dma_wait3A_195] : memref<200x4x128x8x128xf32, #tpu.memory_space<hbm>> -> memref<4x4x1x8x128xf32, #tpu.memory_space<hbm>>
    %dma_wait3A_197 = tpu.memref_squeeze %dma_wait3A_196 : memref<4x4x1x8x128xf32, #tpu.memory_space<hbm>> -> memref<4x4x8x128xf32, #tpu.memory_space<hbm>>
    %dma_wait3A_198 = arith.constant 0 : i32
    %dma_wait3A_199 = arith.constant 0 : i32
    %dma_wait3A_200 = arith.constant 0 : i32
    %dma_wait3A_201 = arith.constant 0 : i32
    %dma_wait3A_202 = tpu.memref_slice %arg9[%dma_wait3A_198, %dma_wait3A_199, %dma_wait3A_200, %dma_wait3A_201] : memref<4x4x8x129xf32, #tpu.memory_space<vmem>> -> memref<4x4x8x128xf32, #tpu.memory_space<vmem>>
    tpu.wait_dma2 semaphore(%arg13 : memref<!tpu.dma_semaphore, #tpu.memory_space<semaphore_mem>>) src(%dma_wait3A_202 : memref<4x4x8x128xf32, #tpu.memory_space<vmem>>) dst(%dma_wait3A_197 : memref<4x4x8x128xf32, #tpu.memory_space<hbm>>)
    %add3A_203 = arith.constant 1 : i32
    %add3A_204 = arith.addi %add3A_99, %add3A_203 : i32
    %jit3A_205 = arith.constant 256 : i32
    %div3A_206 = arith.divsi %add3A_204, %jit3A_205 : i32
    %sign3A_207 = arith.constant 0 : i32
    %sign3A_208 = arith.cmpi sgt, %add3A_204, %sign3A_207 : i32
    %sign3A_209 = arith.extui %sign3A_208 : i1 to i32
    %sign3A_210 = arith.constant 0 : i32
    %sign3A_211 = arith.cmpi slt, %add3A_204, %sign3A_210 : i32
    %sign3A_212 = arith.extui %sign3A_211 : i1 to i32
    %sign3A_213 = arith.subi %sign3A_209, %sign3A_212 : i32
    %sign3A_214 = arith.constant 0 : i32
    %sign3A_215 = arith.cmpi sgt, %jit3A_205, %sign3A_214 : i32
    %sign3A_216 = arith.extui %sign3A_215 : i1 to i32
    %sign3A_217 = arith.constant 0 : i32
    %sign3A_218 = arith.cmpi slt, %jit3A_205, %sign3A_217 : i32
    %sign3A_219 = arith.extui %sign3A_218 : i1 to i32
    %sign3A_220 = arith.subi %sign3A_216, %sign3A_219 : i32
    %ne3A_221 = arith.cmpi ne, %sign3A_213, %sign3A_220 : i32
    %rem3A_222 = arith.remsi %add3A_204, %jit3A_205 : i32
    %ne3A_223 = arith.constant 0 : i32
    %ne3A_224 = arith.cmpi ne, %rem3A_222, %ne3A_223 : i32
    %and3A_225 = arith.andi %ne3A_221, %ne3A_224 : i1
    %sub3A_226 = arith.constant 1 : i32
    %sub3A_227 = arith.subi %div3A_206, %sub3A_226 : i32
    %select_n3A_228 = arith.select %and3A_225, %sub3A_227, %div3A_206 : i32
    %jit3A_229 = arith.constant 256 : i32
    %eq3A_230 = arith.constant 0 : i32
    %eq3A_231 = arith.cmpi eq, %jit3A_229, %eq3A_230 : i32
    %jit3A_232 = arith.constant 1 : i32
    %select_n3A_233 = arith.select %eq3A_231, %jit3A_232, %jit3A_229 : i32
    %rem3A_234 = arith.remsi %add3A_204, %select_n3A_233 : i32
    %ne3A_235 = arith.constant 0 : i32
    %ne3A_236 = arith.cmpi ne, %rem3A_234, %ne3A_235 : i32
    %lt3A_237 = arith.constant 0 : i32
    %lt3A_238 = arith.cmpi slt, %rem3A_234, %lt3A_237 : i32
    %lt3A_239 = arith.constant 0 : i32
    %lt3A_240 = arith.cmpi slt, %select_n3A_233, %lt3A_239 : i32
    %ne3A_241 = arith.xori %lt3A_238, %lt3A_240 : i1
    %and3A_242 = arith.andi %ne3A_241, %ne3A_236 : i1
    %add3A_243 = arith.addi %rem3A_234, %select_n3A_233 : i32
    %select_n3A_244 = arith.select %and3A_242, %add3A_243, %rem3A_234 : i32
    %jit3A_245 = arith.constant 2 : i32
    %div3A_246 = arith.divsi %select_n3A_244, %jit3A_245 : i32
    %sign3A_247 = arith.constant 0 : i32
    %sign3A_248 = arith.cmpi sgt, %select_n3A_244, %sign3A_247 : i32
    %sign3A_249 = arith.extui %sign3A_248 : i1 to i32
    %sign3A_250 = arith.constant 0 : i32
    %sign3A_251 = arith.cmpi slt, %select_n3A_244, %sign3A_250 : i32
    %sign3A_252 = arith.extui %sign3A_251 : i1 to i32
    %sign3A_253 = arith.subi %sign3A_249, %sign3A_252 : i32
    %sign3A_254 = arith.constant 0 : i32
    %sign3A_255 = arith.cmpi sgt, %jit3A_245, %sign3A_254 : i32
    %sign3A_256 = arith.extui %sign3A_255 : i1 to i32
    %sign3A_257 = arith.constant 0 : i32
    %sign3A_258 = arith.cmpi slt, %jit3A_245, %sign3A_257 : i32
    %sign3A_259 = arith.extui %sign3A_258 : i1 to i32
    %sign3A_260 = arith.subi %sign3A_256, %sign3A_259 : i32
    %ne3A_261 = arith.cmpi ne, %sign3A_253, %sign3A_260 : i32
    %rem3A_262 = arith.remsi %select_n3A_244, %jit3A_245 : i32
    %ne3A_263 = arith.constant 0 : i32
    %ne3A_264 = arith.cmpi ne, %rem3A_262, %ne3A_263 : i32
    %and3A_265 = arith.andi %ne3A_261, %ne3A_264 : i1
    %sub3A_266 = arith.constant 1 : i32
    %sub3A_267 = arith.subi %div3A_246, %sub3A_266 : i32
    %select_n3A_268 = arith.select %and3A_265, %sub3A_267, %div3A_246 : i32
    %jit3A_269 = arith.constant 2 : i32
    %eq3A_270 = arith.constant 0 : i32
    %eq3A_271 = arith.cmpi eq, %jit3A_269, %eq3A_270 : i32
    %jit3A_272 = arith.constant 1 : i32
    %select_n3A_273 = arith.select %eq3A_271, %jit3A_272, %jit3A_269 : i32
    %rem3A_274 = arith.remsi %select_n3A_244, %select_n3A_273 : i32
    %ne3A_275 = arith.constant 0 : i32
    %ne3A_276 = arith.cmpi ne, %rem3A_274, %ne3A_275 : i32
    %lt3A_277 = arith.constant 0 : i32
    %lt3A_278 = arith.cmpi slt, %rem3A_274, %lt3A_277 : i32
    %lt3A_279 = arith.constant 0 : i32
    %lt3A_280 = arith.cmpi slt, %select_n3A_273, %lt3A_279 : i32
    %ne3A_281 = arith.xori %lt3A_278, %lt3A_280 : i1
    %and3A_282 = arith.andi %ne3A_281, %ne3A_276 : i1
    %add3A_283 = arith.addi %rem3A_274, %select_n3A_273 : i32
    %select_n3A_284 = arith.select %and3A_282, %add3A_283, %rem3A_274 : i32
    %mul3A_285 = arith.constant 8 : i32
    %mul3A_286 = arith.muli %select_n3A_228, %mul3A_285 : i32
    %mul3A_287 = arith.constant 4 : i32
    %mul3A_288 = arith.muli %select_n3A_284, %mul3A_287 : i32
    %add3A_289 = arith.addi %mul3A_286, %mul3A_288 : i32
    %dma_wait3A_290 = arith.constant 0 : i32
    %dma_wait3A_291 = arith.constant 0 : i32
    %dma_wait3A_292 = arith.constant 0 : i32
    %dma_wait3A_293 = arith.constant 0 : i32
    %dma_wait3A_294 = tpu.memref_slice %arg10[%dma_wait3A_290, %dma_wait3A_291, %dma_wait3A_292, %dma_wait3A_293] : memref<4x4x8x129xf32, #tpu.memory_space<vmem>> -> memref<4x4x8x128xf32, #tpu.memory_space<vmem>>
    %dma_wait3A_295 = arith.constant 0 : i32
    %dma_wait3A_296 = arith.constant 0 : i32
    %dma_wait3A_297 = arith.constant 0 : i32
    %dma_wait3A_298 = tpu.memref_slice %arg4[%add3A_289, %dma_wait3A_295, %select_n3A_268, %dma_wait3A_296, %dma_wait3A_297] : memref<200x4x128x8x128xf32, #tpu.memory_space<hbm>> -> memref<4x4x1x8x128xf32, #tpu.memory_space<hbm>>
    %dma_wait3A_299 = tpu.memref_squeeze %dma_wait3A_298 : memref<4x4x1x8x128xf32, #tpu.memory_space<hbm>> -> memref<4x4x8x128xf32, #tpu.memory_space<hbm>>
    %dma_wait3A_300 = arith.constant 0 : i32
    %dma_wait3A_301 = arith.constant 0 : i32
    %dma_wait3A_302 = arith.constant 0 : i32
    %dma_wait3A_303 = tpu.memref_slice %arg4[%add3A_289, %dma_wait3A_300, %select_n3A_268, %dma_wait3A_301, %dma_wait3A_302] : memref<200x4x128x8x128xf32, #tpu.memory_space<hbm>> -> memref<4x4x1x8x128xf32, #tpu.memory_space<hbm>>
    %dma_wait3A_304 = tpu.memref_squeeze %dma_wait3A_303 : memref<4x4x1x8x128xf32, #tpu.memory_space<hbm>> -> memref<4x4x8x128xf32, #tpu.memory_space<hbm>>
    %dma_wait3A_305 = arith.constant 0 : i32
    %dma_wait3A_306 = arith.constant 0 : i32
    %dma_wait3A_307 = arith.constant 0 : i32
    %dma_wait3A_308 = arith.constant 0 : i32
    %dma_wait3A_309 = tpu.memref_slice %arg10[%dma_wait3A_305, %dma_wait3A_306, %dma_wait3A_307, %dma_wait3A_308] : memref<4x4x8x129xf32, #tpu.memory_space<vmem>> -> memref<4x4x8x128xf32, #tpu.memory_space<vmem>>
    tpu.wait_dma2 semaphore(%arg14 : memref<!tpu.dma_semaphore, #tpu.memory_space<semaphore_mem>>) src(%dma_wait3A_309 : memref<4x4x8x128xf32, #tpu.memory_space<vmem>>) dst(%dma_wait3A_304 : memref<4x4x8x128xf32, #tpu.memory_space<hbm>>)
    return
  }
}

</mosaic_0001>

<sc_bundles>
// kernel: kernel.3.cloned.1.call-start
scs
__scs_entry_jumppad:
0x0: {  	(pc) =	sbr.rel $0x88, $3  }
0x1: {  	(tag) =	ssettag $0x0;
	lr =	simm.s32 $0x1  }
0x2: {  	[smem:$0x3F9F] =	sst lr;
	_ =	strace $0xD0000000  }
0x3: {  	_ = 	snop  }
0x4: {  	_ = 	snop  }
0x5: {  	_ = 	snop  }
0x6: {  	_ = 	snop  }
0x7: {  	_ = 	snop  }
__scs_overlays_trampoline_lowered:
0x8: {  	[smem:$0x3FAE] =	sst s0  }
0x9: {  	[smem:$0x3FAF] =	sst s1  }
0xa: {  	[smem:$0x3FB0] =	sst s2  }
0xb: {  	[smem:$0x3FB1] =	sst s3  }
0xc: {  	[smem:$0x3FB2] =	sst s4  }
0xd: {  	[smem:$0x3FB3] =	sst s5  }
0xe: {  	[smem:$0x3FB4] =	sst s6  }
0xf: {  	[smem:$0x3FB5] =	sst s7  }
0x10: {  	[smem:$0x3FB6] =	sst s8  }
0x11: {  	[smem:$0x3FB7] =	sst s9;
	s0 =	simm.s32 @!p0 $0x0  }
0x12: {  	s1 =	sld [smem:$0x3F9D];
	s0 =	simm.s32 @p0 $0x1  }
0x13: {  	[smem:$0x3FB8] =	sst s0;
	s0 =	simm.s32 @!p1 $0x0  }
0x14: {  	s2 =	sld [smem:$0x3F9C];
	s0 =	simm.s32 @p1 $0x1  }
0x15: {  	[smem:$0x3FB9] =	sst s0;
	s0 =	simm.s32 @!p2 $0x0  }
0x16: {  	s3 =	sld [smem:$0x3FDB];
	s0 =	simm.s32 @p2 $0x1  }
0x17: {  	s4 =	simm.s32 $0x1BF5;
	[smem:$0x3FBB] =	sst s0  }
0x18: {  	s0 =	sld [smem:$0x3F9E];
	_ =	swait.ge [sflag:s4], $0x0  }
0x19: {  	s7 =	sld [smem:$0x3F9F]  }
0x1a: {  	s8 =	sadd.s32 $0xFFFFE003, lr  }
0x1b: {  	s9 =	sadd.s32 $0xFFFFFEF7, lr;
	s5 =	simm.s32 $0xFFFFFFFF;
	p2 =	slt.u32 s8, $0xFFFFF086  }
0x1c: {  	p1 =	slt.u32 s9, $0xF7A;
	s5 =	simm.s32 @!p2 $0x0  }
0x1d: {  	s5 =	simm.s32 @p1 $0x1;
	p0 =	seq.s32 s7, s2  }
0x1e: {  	s7 =	smul.u32 @!p0 $0xF7A, s2;
	p2 =	seq.s32 @!p0 s5, $0x0  }
0x1f: {  	s9 =	smul.u32 $0xF7A, s1;
	s8 =	simm.s32 @!p0 $0x1BF5;
	p2 =	por !p2, p0  }
0x20: {  	[sflag:s8] =	ssyncset.s32 @!p0 $0xFFFFF086;
	s6 =	sadd.s32 @!p0 s3, s7;
	s7 =	simm.s32 @!p0 $0x108  }
0x21: {  	s3 =	sadd.s32 s3, s9;
	s6 =	sadd.s32 @!p0 $0x88, s6;
	s7 =	simm.s32 @p2 $0x1082  }
0x22: {  	[simem:s7], [sflag:s8] =	dma.local @!p0 [hbm:s6], $0xF7A  }
0x23: {  	s9 =	sor.u32 $0xD0000000, s2;
	s6 =	simm.s32 $0x108;
	_ =	swait.ge @!p0 [sflag:s8], $0x0  }
0x24: {  	s3 =	sadd.s32 $0x88, s3;
	s6 =	simm.s32 @!p1 $0x1082;
	[sflag:s4] =	ssyncset.s32 $0xFFFFF086  }
0x25: {  	[simem:s6], [sflag:s4] =	dma.local [hbm:s3], $0xF7A  }
0x26: {  	[smem:$0x3F9F] =	sst s1;
	(tag) =	ssettag s2;
	_ =	strace s9  }
0x27: {  	s1 =	sld [smem:$0x3FAF]  }
0x28: {  	s2 =	sld [smem:$0x3FB0]  }
0x29: {  	s4 =	sld [smem:$0x3FB2]  }
0x2a: {  	p0 =	seq.s32 s5, $0x0;
	s5 =	sld [smem:$0x3FB3]  }
0x2b: {  	s6 =	sld [smem:$0x3FB4]  }
0x2c: {  	s7 =	sld [smem:$0x3FB5]  }
0x2d: {  	s3 =	simm.s32 $0x108;
	s8 =	sld [smem:$0x3FB6]  }
0x2e: {  	s3 =	simm.s32 @!p0 $0x1082;
	s9 =	sld [smem:$0x3FB7]  }
0x2f: {  	lr =	sadd.s32 s0, s3;
	s0 =	sld [smem:$0x3FAE]  }
0x30: {  	s3 =	sld [smem:$0x3FB1]  }
0x31: {  	[smem:$0x3FBA] =	sst s10  }
0x32: {  	s10 =	sld [smem:$0x3FB8];
	_ =	sdelay $0x3  }
0x33: {  	p0 =	seq.s32 s10, $0x1;
	s10 =	sld [smem:$0x3FBA];
	_ =	sdelay $0x3  }
0x34: {  	[smem:$0x3FBA] =	sst s10  }
0x35: {  	s10 =	sld [smem:$0x3FB9];
	_ =	sdelay $0x3  }
0x36: {  	p1 =	seq.s32 s10, $0x1;
	s10 =	sld [smem:$0x3FBA];
	_ =	sdelay $0x3  }
0x37: {  	[smem:$0x3FBA] =	sst s10  }
0x38: {  	s10 =	sld [smem:$0x3FBB]  }
0x39: {  	_ = 	snop;
	(pc) =	sbr.ind lr, $3  }
0x3a: {  	_ = 	snop  }
0x3b: {  	_ = 	snop  }
0x3c: {  	p2 =	seq.s32 s10, $0x1;
	s10 =	sld [smem:$0x3FBA]  }
0x3d: {  	_ =	shalt  }
0x3e: {  	_ =	shalt  }
0x3f: {  	_ =	shalt  }
0x40: {  	_ =	shalt  }
0x41: {  	_ =	shalt  }
0x42: {  	_ =	shalt  }
0x43: {  	_ =	shalt  }
0x44: {  	_ =	shalt  }
0x45: {  	_ =	shalt  }
0x46: {  	_ =	shalt  }
0x47: {  	_ =	shalt  }
0x48: {  	_ =	shalt  }
0x49: {  	_ =	shalt  }
0x4a: {  	_ =	shalt  }
0x4b: {  	_ =	shalt  }
0x4c: {  	_ =	shalt  }
0x4d: {  	_ =	shalt  }
0x4e: {  	_ =	shalt  }
0x4f: {  	_ =	shalt  }
0x50: {  	_ =	shalt  }
0x51: {  	_ =	shalt  }
0x52: {  	_ =	shalt  }
0x53: {  	_ =	shalt  }
0x54: {  	_ =	shalt  }
0x55: {  	_ =	shalt  }
0x56: {  	_ =	shalt  }
0x57: {  	_ =	shalt  }
0x58: {  	_ =	shalt  }
0x59: {  	_ =	shalt  }
0x5a: {  	_ =	shalt  }
0x5b: {  	_ =	shalt  }
0x5c: {  	_ =	shalt  }
0x5d: {  	_ =	shalt  }
0x5e: {  	_ =	shalt  }
0x5f: {  	_ =	shalt  }
0x60: {  	_ =	shalt  }
0x61: {  	_ =	shalt  }
0x62: {  	_ =	shalt  }
0x63: {  	_ =	shalt  }
0x64: {  	_ =	shalt  }
0x65: {  	_ =	shalt  }
0x66: {  	_ =	shalt  }
0x67: {  	_ =	shalt  }
0x68: {  	_ =	shalt  }
0x69: {  	_ =	shalt  }
0x6a: {  	_ =	shalt  }
0x6b: {  	_ =	shalt  }
0x6c: {  	_ =	shalt  }
0x6d: {  	_ =	shalt  }
0x6e: {  	_ =	shalt  }
0x6f: {  	_ =	shalt  }
0x70: {  	_ =	shalt  }
0x71: {  	_ =	shalt  }
0x72: {  	_ =	shalt  }
0x73: {  	_ =	shalt  }
0x74: {  	_ =	shalt  }
0x75: {  	_ =	shalt  }
0x76: {  	_ =	shalt  }
0x77: {  	_ =	shalt  }
0x78: {  	_ =	shalt  }
0x79: {  	_ =	shalt  }
0x7a: {  	_ =	shalt  }
0x7b: {  	_ =	shalt  }
0x7c: {  	_ =	shalt  }
0x7d: {  	_ =	shalt  }
0x7e: {  	_ =	shalt  }
0x7f: {  	_ =	shalt  }
0x80: {  	_ =	shalt  }
0x81: {  	_ =	shalt  }
0x82: {  	_ =	shalt  }
0x83: {  	_ =	shalt  }
0x84: {  	_ =	shalt  }
0x85: {  	_ =	shalt  }
0x86: {  	_ =	shalt  }
0x87: {  	_ =	shalt  }
.Lfunc_end0:
.L_simem_size_0:
called_computation_lowered:
.L_overlay_start_0:
0x88: {  	s2 =	sld [smem:$0x3FD9]  }
0x89: {  	s3 =	sld [smem:$0x3FFE];
	_ =	sdelay $0x1  }
0x8a: {  	s1 =	srdreg.scid  }
0x8b: {  	s0 =	sand.u32 $0x1, s1  }
0x8c: {  	s17 =	sshll.u32 s0, $0xA;
	s2 =	sadd.s32 s3, s2  }
0x8d: {  	s2 =	sadd.s32 s2, s17  }
0x8e: {  	[smem:$0x3FC6] =	sst s2  }
0x8f: {  	_ = 	snop  }
0x90: {  	s2 =	sld [smem:$0x3FC9]  }
0x91: {  	s18 =	sld [smem:$0x3FD0];
	(tm) =	ssettm $0x1  }
0x92: {  	s4 =	sld [smem:$0x3FFB];
	_ =	sdelay $0x3  }
0x93: {  	_ =	strace s4  }
0x94: {  	s4 =	sld [smem:$0x3FFC];
	_ =	sdelay $0x3  }
0x95: {  	_ =	strace s4  }
0x96: {  	s4 =	sld [smem:$0x3FFD];
	_ =	sdelay $0x3  }
0x97: {  	_ =	strace s4  }
0x98: {  	_ =	strace $0x8FFFFFFF  }
0x99: {  	s19 =	sld [smem:$0x3FDB];
	_ =	sdelay $0x1  }
0x9a: {  	s5 =	simm.s32 $_scs_section_size  }
0x9b: {  	s6 =	simm.s32 $_size__tile_overlayer_lowered;
	s7 =	simm.s32 $_tile_overlayer_lowered  }
0x9c: {  	s22 =	simm.s32 $0x1BFF;
	s21 =	sshll.u32 s7, $0x1;
	s4 =	sadd.s32 s5, s19  }
0x9d: {  	s8 =	simm.s32 $0x0;
	s20 =	sshll.u32 s6, $0x1;
	s6 =	sadd.s32 s21, s4  }
0x9e: {  	[timem:s8], [sflag:s22] =	dma.local [hbm:s6], s20  }
0x9f: {  	_ =	swait.ge [sflag:s22], s20  }
0xa0: {  	s5 =	ssub.s32 $0x0, s20;
	[sflag:s22] =	ssyncset.done $0x0  }
0xa1: {  	[sflag:s22] =	ssyncadd.s32 s5;
	_ =	sdelay $0x1  }
0xa2: {  	s23 =	simm.s32 $0x1B8B  }
0xa3: {  	_ =	swait.ge [sflag:s23], $0x1  }
0xa4: {  	[sflag:s23] =	ssyncset.done $0x0  }
0xa5: {  	s25 =	simm.s32 $0x1B8E;
	s24 =	sld [smem:$0x3FFE];
	[sflag:s23] =	ssyncadd.s32 $0xFFFFFFFF  }
0xa6: {  	s26 =	simm.s32 $execute0_lowered;
	[smem:$0x3FD2] =	sst s25  }
0xa7: {  	s6 =	sshll.u32 s26, $0x1;
	_ =	strace $0x80000046;
	[dreg:$0x1] =	wrdreg $0xFFFFFFFF  }
0xa8: {  	s28 =	simm.s32 $_size_execute0_lowered;
	s4 =	sadd.s32 s4, s6;
	[dreg:$0x0] =	wrdreg $0x0  }
0xa9: {  	s6 =	sshll.u32 s28, $0x1;
	[dreg:$0x2] =	wrdreg s4  }
0xaa: {  	[dreg:$0x3] =	wrdreg s6  }
0xab: {  	[dreg:$0x4] =	wrdreg $0xC0  }
0xac: {  	_ =	task [dreg:s8], $0x5FFFF  }
0xad: {  	[dreg:$0x1] =	wrdreg $0xFFFFFFFF  }
0xae: {  	[dreg:$0x0] =	wrdreg $0x60  }
0xaf: {  	[dreg:$0x2] =	wrdreg s2  }
0xb0: {  	[dreg:$0x3] =	wrdreg s24  }
0xb1: {  	[dreg:$0x4] =	wrdreg s18  }
0xb2: {  	[dreg:$0x5] =	wrdreg $0x9  }
0xb3: {  	_ =	task.clear_ibuf [dreg:s8], $0x6FFFF;
	_ =	strace $0x90000046  }
0xb4: {  	s29 =	simm.s32 $0x9;
	_ =	strace $0x80000048  }
0xb5: {  	_ =	swait.ge [sflag:s29], $0x1  }
0xb6: {  	[sflag:s29] =	ssyncadd.s32 $0xFFFFFFFF  }
0xb7: {  	_ =	strace $0x90000048  }
0xb8: {  	_ =	sfence  }
0xb9: {  	s30 =	sld [smem:$0x0];
	_ =	sdelay $0x2  }
0xba: {  	s31 =	sshll.u32 s1, $0xD;
	s1 =	sshrl.u32 s1, $0x2  }
0xbb: {  	s3 =	sand.u32 $0x4000, s31;
	s1 =	sadd.s32 s1, s30  }
0xbc: {  	s0 =	sor.u32 s3, s0;
	s1 =	sshll.u32 s1, $0x11  }
0xbd: {  	s0 =	sor.u32 s1, s0  }
0xbe: {  	s0 =	sadd.s32 $0x8F2B, s0  }
0xbf: {  	[sflag:s0] =	ssyncadd.remote.s32 $0x1  }
0xc0: {  	_ =	sfence.sel $0xFFFF  }
0xc1: {  	[dreg:$0x0] =	wrdreg $0xFFFFFFFF;
	(pc) =	sbr.abs _section_cstart, $3  }
0xc2: {  	[dreg:$0x1] =	wrdreg $0xFFFFFFFF  }
0xc3: {  	_ =	task.clear_ibuf [dreg:s8], $0x2FFFF;
	_ =	strace $0x9FFFFFFF  }
0xc4: {  	(tm) =	ssettm $0x7FFFFFFF  }
0xc5: {  	_ =	shalt  }
tec
execute0_lowered:
.L_overlay_start_1:
0x0: {  	(tag) =	ssettag $0x1  }
0x1: {  	s10 =	rddreg [dreg:$0x0]  }
0x2: {  	s4 =	rddreg [dreg:$0x1]  }
0x3: {  	s1 =	srdreg.scid;
	s0 =	stileid.u32  }
0x4: {  	s2 =	rddreg [dreg:$0x2];
	s3 =	simm.s32 $0x0;
	s12 =	simm.s32 $0x1  }
0x5: {  	s13 =	simm.s32 $0x200;
	s14 =	simm.s32 $0x400;
	s15 =	simm.s32 $0x2  }
0x6: {  	v0 =	vlaneseq.u32;
	s16 =	simm.s32 $0x4400;
	s17 =	simm.s32 $0x8400;
	s18 =	simm.s32 $0x4  }
0x7: {  	v16 =	vimm.s32 $0x0;
	vm0 =	vcmask $0x300;
	s19 =	simm.s32 $0xC800;
	s20 =	simm.s32 $0x3;
	s21 =	simm.s32 $0x0;
	v0 =	vmul.u32 $0x88, v0  }
0x8: {  	s5 =	sand.u32 $0x1, s1;
	s6 =	sshll.u32 s0, $0x1;
	s1 =	rddreg [dreg:$0x3];
	v16 =	vsel vm0, $0x3, v16  }
0x9: {  	[smem:$0x7FF] =	sst s3;
	s6 =	sor.u32 s5, s6;
	s5 =	ssub.s32 $0x2, s5;
	v1 =	vor.u32 $0x1, v0;
	v2 =	vor.u32 $0x2, v0;
	v3 =	vor.u32 $0x3, v0  }
0xa: {  	s4 =	sadd.s32 $0xF42800, s4;
	s7 =	smul.u32 $0x3200, s6;
	s8 =	sshrl.u32 s5, $0x1;
	v4 =	vor.u32 $0x4, v0;
	v5 =	vor.u32 $0x5, v0;
	v6 =	vor.u32 $0x6, v0  }
0xb: {  	s9 =	sadd.s32 $0x40000, s2;
	_ =	strace $0x80000047;
	v7 =	vor.u32 $0x7, v0;
	v8 =	vadd.s32 $0x880, v0;
	v9 =	vadd.s32 $0x881, v0;
	s11 =	ssub.s32 s5, s8  }
0xc: {  	v10 =	vadd.s32 $0x882, v0;
	v11 =	vadd.s32 $0x883, v0;
	v12 =	vadd.s32 $0x884, v0;
	s5 =	smul.u32 $0xC8, s6;
	s8 =	sadd.s32 $0x80, s10;
	s6 =	sadd.s32 s10, s7  }
0xd: {  	v13 =	vadd.s32 $0x885, v0;
	v14 =	vadd.s32 $0x886, v0;
	v15 =	vadd.s32 $0x887, v0;
	s10 =	sadd.s32 $0xC0, s10;
	s11 =	smax.u32 s11, $0x1;
	s7 =	sadd.s32 $0x40, s6  }
.LBB2_1:
0xe: {  	[tilespmem:s3], [sflag:$0x1] =	stream.linear.gather [hbm4b:s6+s3], $0x200, $0x38;
	[tilespmem:$0x10C00] =	vst v63  }
0xf: {  	_ =	swait.ge [sflag:s12], $0x200  }
0x10: {  	[sflag:s12] =	ssyncset.done $0x0  }
0x11: {  	s23 =	smov.u32 s7;
	s22 =	simm.s32 $0x0;
	[sflag:s12] =	ssyncadd.s32 $0xFFFFFE00  }
0x12: {  	[tilespmem:s14], [sflag:$0x1] =	stream.indirect.gather [hbm4b:s4+s13], $0x20, s3, s13, $0xb8;
	[tilespmem:$0x10C00] =	vst v63  }
.LBB2_2:
0x13: {  	[tilespmem:s13], [sflag:$0x2] =	stream.linear.gather [hbm4b:s23+s3], $0x200, $0x38;
	[tilespmem:$0x10C00] =	vst v63  }
0x14: {  	_ =	swait.ge [sflag:s15], $0x200  }
0x15: {  	[sflag:s15] =	ssyncset.done $0x0  }
0x16: {  	[sflag:s15] =	ssyncadd.s32 $0xFFFFFE00  }
0x17: {  	[tilespmem:s16], [sflag:$0x2] =	stream.indirect.gather [hbm4b:s4+s13], $0x20, s13, s13, $0xb8;
	[tilespmem:$0x10C00] =	vst v63  }
0x18: {  	_ =	swait.ge [sflag:s12], $0x4000  }
0x19: {  	p1 =	seq.s32 s22, $0x0;
	[sflag:s12] =	ssyncset.done $0x0  }
0x1a: {  	s24 =	simm.s32 @!p1 $0x3;
	[sflag:s12] =	ssyncadd.s32 $0xFFFFC000  }
0x1b: {  	_ =	swait.ge @!p1 [sflag:s24], $0x4000  }
0x1c: {  	s31 =	sshll.u32 s22, $0x1;
	s25 =	simm.s32 $0x480;
	[sflag:s24] =	ssyncset.done @!p1 $0x0  }
0x1d: {  	s23 =	sadd.s32 s5, s31;
	[sflag:s24] =	ssyncadd.s32 @!p1 $0xFFFFC000;
	s24 =	simm.s32 $0x0  }
.LBB2_3:
0x1e: {  	v17 =	vmov s24;
	s26 =	simm.s32 $0x0  }
0x1f: {  	v17 =	vmul.u32 $0x1100, v17;
	v18 =	vmov s26  }
0x20: {  	v18 =	vshrl.u32 v18, $0x3  }
0x21: {  	v32 =	vbroadcast v17, $0x0;
	v17 =	vshll.u32 v18, v16  }
0x22: {  	v19 =	vbroadcast v17, $0x0  }
0x23: {  	v17 =	vadd.s32 v0, v32  }
0x24: {  	v20 =	vld [tilespmem:s25+$0xFFFFFF80];
	v21 =	vadd.s32 v17, v19;
	_ =	sdelay $0x4  }
0x25: {  	v18 =	vadd.s32 v8, v32;
	[tilespmem:v21+s17+$0x0] =	vst.idx.msk $0xffff, v20  }
0x26: {  	s31 =	simm.s32 $0x1;
	v21 =	vadd.s32 v18, v19;
	v20 =	vld [tilespmem:s25+$0xFFFFFF90]  }
0x27: {  	v19 =	vmov s31  }
0x28: {  	v19 =	vshrl.u32 v19, $0x3  }
0x29: {  	v19 =	vshll.u32 v19, v16  }
0x2a: {  	v22 =	vbroadcast v19, $0x0  }
0x2b: {  	v19 =	vadd.s32 v1, v32;
	[tilespmem:v21+s17+$0x0] =	vst.idx.msk $0xffff, v20  }
0x2c: {  	v23 =	vadd.s32 v19, v22;
	v21 =	vld [tilespmem:s25+$0xFFFFFFA0];
	_ =	sdelay $0x4  }
0x2d: {  	v20 =	vadd.s32 v9, v32;
	[tilespmem:v23+s17+$0x0] =	vst.idx.msk $0xffff, v21  }
0x2e: {  	s31 =	simm.s32 $0x2;
	v22 =	vadd.s32 v20, v22;
	v23 =	vld [tilespmem:s25+$0xFFFFFFB0]  }
0x2f: {  	v21 =	vmov s31  }
0x30: {  	v21 =	vshrl.u32 v21, $0x3  }
0x31: {  	v21 =	vshll.u32 v21, v16  }
0x32: {  	v24 =	vbroadcast v21, $0x0  }
0x33: {  	v21 =	vadd.s32 v2, v32;
	[tilespmem:v22+s17+$0x0] =	vst.idx.msk $0xffff, v23  }
0x34: {  	v25 =	vadd.s32 v21, v24;
	v23 =	vld [tilespmem:s25+$0xFFFFFFC0];
	_ =	sdelay $0x4  }
0x35: {  	v22 =	vadd.s32 v10, v32;
	[tilespmem:v25+s17+$0x0] =	vst.idx.msk $0xffff, v23  }
0x36: {  	s31 =	simm.s32 $0x3;
	v24 =	vadd.s32 v22, v24;
	v25 =	vld [tilespmem:s25+$0xFFFFFFD0]  }
0x37: {  	v23 =	vmov s31  }
0x38: {  	v23 =	vshrl.u32 v23, $0x3  }
0x39: {  	v23 =	vshll.u32 v23, v16  }
0x3a: {  	v26 =	vbroadcast v23, $0x0  }
0x3b: {  	v23 =	vadd.s32 v3, v32;
	[tilespmem:v24+s17+$0x0] =	vst.idx.msk $0xffff, v25  }
0x3c: {  	v27 =	vadd.s32 v23, v26;
	v25 =	vld [tilespmem:s25+$0xFFFFFFE0];
	_ =	sdelay $0x4  }
0x3d: {  	v24 =	vadd.s32 v11, v32;
	[tilespmem:v27+s17+$0x0] =	vst.idx.msk $0xffff, v25  }
0x3e: {  	s31 =	simm.s32 $0x4;
	v26 =	vadd.s32 v24, v26;
	v27 =	vld [tilespmem:s25+$0xFFFFFFF0]  }
0x3f: {  	v25 =	vmov s31  }
0x40: {  	v25 =	vshrl.u32 v25, $0x3  }
0x41: {  	v25 =	vshll.u32 v25, v16  }
0x42: {  	v28 =	vbroadcast v25, $0x0  }
0x43: {  	v25 =	vadd.s32 v4, v32;
	[tilespmem:v26+s17+$0x0] =	vst.idx.msk $0xffff, v27  }
0x44: {  	v29 =	vadd.s32 v25, v28;
	v27 =	vld [tilespmem:s25+$0x0];
	_ =	sdelay $0x4  }
0x45: {  	v26 =	vadd.s32 v12, v32;
	[tilespmem:v29+s17+$0x0] =	vst.idx.msk $0xffff, v27  }
0x46: {  	s31 =	simm.s32 $0x5;
	v28 =	vadd.s32 v26, v28;
	v29 =	vld [tilespmem:s25+$0x10]  }
0x47: {  	v27 =	vmov s31  }
0x48: {  	v27 =	vshrl.u32 v27, $0x3  }
0x49: {  	v27 =	vshll.u32 v27, v16  }
0x4a: {  	v30 =	vbroadcast v27, $0x0  }
0x4b: {  	v27 =	vadd.s32 v5, v32;
	[tilespmem:v28+s17+$0x0] =	vst.idx.msk $0xffff, v29  }
0x4c: {  	v31 =	vadd.s32 v27, v30;
	v29 =	vld [tilespmem:s25+$0x20];
	_ =	sdelay $0x4  }
0x4d: {  	v28 =	vadd.s32 v13, v32;
	[tilespmem:v31+s17+$0x0] =	vst.idx.msk $0xffff, v29  }
0x4e: {  	s31 =	simm.s32 $0x6;
	v30 =	vadd.s32 v28, v30;
	v31 =	vld [tilespmem:s25+$0x30]  }
0x4f: {  	v29 =	vmov s31  }
0x50: {  	v29 =	vshrl.u32 v29, $0x3  }
0x51: {  	v29 =	vshll.u32 v29, v16  }
0x52: {  	v33 =	vbroadcast v29, $0x0  }
0x53: {  	v29 =	vadd.s32 v6, v32;
	[tilespmem:v30+s17+$0x0] =	vst.idx.msk $0xffff, v31  }
0x54: {  	v34 =	vadd.s32 v29, v33;
	v31 =	vld [tilespmem:s25+$0x40];
	_ =	sdelay $0x4  }
0x55: {  	v30 =	vadd.s32 v14, v32;
	[tilespmem:v34+s17+$0x0] =	vst.idx.msk $0xffff, v31  }
0x56: {  	s31 =	simm.s32 $0x7;
	v33 =	vadd.s32 v30, v33;
	v34 =	vld [tilespmem:s25+$0x50]  }
0x57: {  	v31 =	vmov s31  }
0x58: {  	v31 =	vshrl.u32 v31, $0x3  }
0x59: {  	v31 =	vshll.u32 v31, v16  }
0x5a: {  	v35 =	vbroadcast v31, $0x0  }
0x5b: {  	v31 =	vadd.s32 v7, v32;
	[tilespmem:v33+s17+$0x0] =	vst.idx.msk $0xffff, v34  }
0x5c: {  	v63 =	vadd.s32 v31, v35;
	v33 =	vld [tilespmem:s25+$0x60];
	_ =	sdelay $0x4  }
0x5d: {  	s30 =	simm.s32 $0x8;
	v32 =	vadd.s32 v15, v32;
	[tilespmem:v63+s17+$0x0] =	vst.idx.msk $0xffff, v33  }
0x5e: {  	s29 =	simm.s32 $0x17;
	s28 =	smov.u32 s25;
	s26 =	simm.s32 $0xF;
	v34 =	vadd.s32 v32, v35;
	v33 =	vld [tilespmem:s25+$0x70]  }
.LBB2_4:
0x5f: {  	p0 =	sne.s32 s29, $0x7F;
	v35 =	vmov s30  }
0x60: {  	v35 =	vshrl.u32 v35, $0x3  }
0x61: {  	v35 =	vshll.u32 v35, v16  }
0x62: {  	v35 =	vbroadcast v35, $0x0  }
0x63: {  	s28 =	sadd.s32 $0x100, s28;
	[tilespmem:v34+s17+$0x0] =	vst.idx.msk $0xffff, v33  }
0x64: {  	v33 =	vld [tilespmem:s28+$0xFFFFFF80];
	v34 =	vadd.s32 v17, v35;
	_ =	sdelay $0x4  }
0x65: {  	[tilespmem:v34+s17+$0x0] =	vst.idx.msk $0xffff, v33  }
0x66: {  	s30 =	sadd.s32 $0xFFFFFFFA, s26;
	v34 =	vadd.s32 v18, v35;
	v33 =	vld [tilespmem:s28+$0xFFFFFF90]  }
0x67: {  	v35 =	vmov s30  }
0x68: {  	v35 =	vshrl.u32 v35, $0x3  }
0x69: {  	v35 =	vshll.u32 v35, v16  }
0x6a: {  	v35 =	vbroadcast v35, $0x0  }
0x6b: {  	[tilespmem:v34+s17+$0x0] =	vst.idx.msk $0xffff, v33  }
0x6c: {  	v34 =	vadd.s32 v19, v35;
	v33 =	vld [tilespmem:s28+$0xFFFFFFA0];
	_ =	sdelay $0x4  }
0x6d: {  	[tilespmem:v34+s17+$0x0] =	vst.idx.msk $0xffff, v33  }
0x6e: {  	s30 =	sadd.s32 $0xFFFFFFFB, s26;
	v34 =	vadd.s32 v20, v35;
	v33 =	vld [tilespmem:s28+$0xFFFFFFB0]  }
0x6f: {  	v35 =	vmov s30  }
0x70: {  	v35 =	vshrl.u32 v35, $0x3  }
0x71: {  	v35 =	vshll.u32 v35, v16  }
0x72: {  	v35 =	vbroadcast v35, $0x0  }
0x73: {  	[tilespmem:v34+s17+$0x0] =	vst.idx.msk $0xffff, v33  }
0x74: {  	v34 =	vadd.s32 v21, v35;
	v33 =	vld [tilespmem:s28+$0xFFFFFFC0];
	_ =	sdelay $0x4  }
0x75: {  	[tilespmem:v34+s17+$0x0] =	vst.idx.msk $0xffff, v33  }
0x76: {  	s30 =	sadd.s32 $0xFFFFFFFC, s26;
	v34 =	vadd.s32 v22, v35;
	v33 =	vld [tilespmem:s28+$0xFFFFFFD0]  }
0x77: {  	v35 =	vmov s30  }
0x78: {  	v35 =	vshrl.u32 v35, $0x3  }
0x79: {  	v35 =	vshll.u32 v35, v16  }
0x7a: {  	v35 =	vbroadcast v35, $0x0  }
0x7b: {  	[tilespmem:v34+s17+$0x0] =	vst.idx.msk $0xffff, v33  }
0x7c: {  	v34 =	vadd.s32 v23, v35;
	v33 =	vld [tilespmem:s28+$0xFFFFFFE0];
	_ =	sdelay $0x4  }
0x7d: {  	[tilespmem:v34+s17+$0x0] =	vst.idx.msk $0xffff, v33  }
0x7e: {  	s30 =	sadd.s32 $0xFFFFFFFD, s26;
	v34 =	vadd.s32 v24, v35;
	v33 =	vld [tilespmem:s28+$0xFFFFFFF0]  }
0x7f: {  	v35 =	vmov s30  }
0x80: {  	v35 =	vshrl.u32 v35, $0x3  }
0x81: {  	v35 =	vshll.u32 v35, v16  }
0x82: {  	v35 =	vbroadcast v35, $0x0  }
0x83: {  	[tilespmem:v34+s17+$0x0] =	vst.idx.msk $0xffff, v33  }
0x84: {  	v34 =	vadd.s32 v25, v35;
	v33 =	vld [tilespmem:s28+$0x0];
	_ =	sdelay $0x4  }
0x85: {  	[tilespmem:v34+s17+$0x0] =	vst.idx.msk $0xffff, v33  }
0x86: {  	s30 =	sadd.s32 $0xFFFFFFFE, s26;
	v34 =	vadd.s32 v26, v35;
	v33 =	vld [tilespmem:s28+$0x10]  }
0x87: {  	v35 =	vmov s30  }
0x88: {  	v35 =	vshrl.u32 v35, $0x3  }
0x89: {  	v35 =	vshll.u32 v35, v16  }
0x8a: {  	v35 =	vbroadcast v35, $0x0  }
0x8b: {  	[tilespmem:v34+s17+$0x0] =	vst.idx.msk $0xffff, v33  }
0x8c: {  	v34 =	vadd.s32 v27, v35;
	v33 =	vld [tilespmem:s28+$0x20];
	_ =	sdelay $0x4  }
0x8d: {  	[tilespmem:v34+s17+$0x0] =	vst.idx.msk $0xffff, v33  }
0x8e: {  	s30 =	sadd.s32 $0xFFFFFFFF, s26;
	v34 =	vadd.s32 v28, v35;
	v33 =	vld [tilespmem:s28+$0x30]  }
0x8f: {  	v35 =	vmov s30  }
0x90: {  	v35 =	vshrl.u32 v35, $0x3  }
0x91: {  	v35 =	vshll.u32 v35, v16  }
0x92: {  	v35 =	vbroadcast v35, $0x0  }
0x93: {  	[tilespmem:v34+s17+$0x0] =	vst.idx.msk $0xffff, v33  }
0x94: {  	v34 =	vadd.s32 v29, v35;
	v33 =	vld [tilespmem:s28+$0x40];
	_ =	sdelay $0x4  }
0x95: {  	[tilespmem:v34+s17+$0x0] =	vst.idx.msk $0xffff, v33  }
0x96: {  	v34 =	vadd.s32 v30, v35;
	v33 =	vld [tilespmem:s28+$0x50]  }
0x97: {  	v35 =	vmov s26;
	s26 =	smov.u32 s29  }
0x98: {  	v35 =	vshrl.u32 v35, $0x3  }
0x99: {  	v35 =	vshll.u32 v35, v16  }
0x9a: {  	v35 =	vbroadcast v35, $0x0  }
0x9b: {  	[tilespmem:v34+s17+$0x0] =	vst.idx.msk $0xffff, v33  }
0x9c: {  	v34 =	vadd.s32 v31, v35;
	v33 =	vld [tilespmem:s28+$0x60];
	_ =	sdelay $0x1  }
.Ltmp0:
0x9d: {  	(pc) =	sbr.rel @p0 .LBB2_4-.Ltmp0, $3  }
0x9e: {  	_ =	sdelay $0x1  }
0x9f: {  	[tilespmem:v34+s17+$0x0] =	vst.idx.msk $0xffff, v33  }
0xa0: {  	s29 =	sadd.s32 $0x8, s29;
	s30 =	sadd.s32 $0xFFFFFFF9, s26;
	v34 =	vadd.s32 v32, v35;
	v33 =	vld [tilespmem:s28+$0x70]  }
0xa1: {  	v35 =	vmov s30  }
0xa2: {  	v35 =	vshrl.u32 v35, $0x3  }
0xa3: {  	v35 =	vshll.u32 v35, v16  }
0xa4: {  	v35 =	vbroadcast v35, $0x0  }
0xa5: {  	s28 =	sadd.s32 $0x100, s28;
	[tilespmem:v34+s17+$0x0] =	vst.idx.msk $0xffff, v33  }
0xa6: {  	v33 =	vld [tilespmem:s28+$0xFFFFFF80];
	v17 =	vadd.s32 v17, v35;
	_ =	sdelay $0x4  }
0xa7: {  	[tilespmem:v17+s17+$0x0] =	vst.idx.msk $0xffff, v33  }
0xa8: {  	s29 =	sadd.s32 $0xFFFFFFFA, s26;
	v18 =	vadd.s32 v18, v35;
	v17 =	vld [tilespmem:s28+$0xFFFFFF90]  }
0xa9: {  	v63 =	vmov s29  }
0xaa: {  	v33 =	vshrl.u32 v63, $0x3  }
0xab: {  	v33 =	vshll.u32 v33, v16  }
0xac: {  	v33 =	vbroadcast v33, $0x0  }
0xad: {  	[tilespmem:v18+s17+$0x0] =	vst.idx.msk $0xffff, v17  }
0xae: {  	v18 =	vadd.s32 v19, v33;
	v17 =	vld [tilespmem:s28+$0xFFFFFFA0];
	_ =	sdelay $0x4  }
0xaf: {  	[tilespmem:v18+s17+$0x0] =	vst.idx.msk $0xffff, v17  }
0xb0: {  	s31 =	sadd.s32 $0xFFFFFFFB, s26;
	v18 =	vadd.s32 v20, v33;
	v17 =	vld [tilespmem:s28+$0xFFFFFFB0]  }
0xb1: {  	v19 =	vmov s31  }
0xb2: {  	v19 =	vshrl.u32 v19, $0x3  }
0xb3: {  	v19 =	vshll.u32 v19, v16  }
0xb4: {  	v19 =	vbroadcast v19, $0x0  }
0xb5: {  	[tilespmem:v18+s17+$0x0] =	vst.idx.msk $0xffff, v17  }
0xb6: {  	v18 =	vadd.s32 v21, v19;
	v17 =	vld [tilespmem:s28+$0xFFFFFFC0];
	_ =	sdelay $0x4  }
0xb7: {  	[tilespmem:v18+s17+$0x0] =	vst.idx.msk $0xffff, v17  }
0xb8: {  	s30 =	sadd.s32 $0xFFFFFFFC, s26;
	v18 =	vadd.s32 v22, v19;
	v17 =	vld [tilespmem:s28+$0xFFFFFFD0]  }
0xb9: {  	v19 =	vmov s30  }
0xba: {  	v19 =	vshrl.u32 v19, $0x3  }
0xbb: {  	v19 =	vshll.u32 v19, v16  }
0xbc: {  	v19 =	vbroadcast v19, $0x0  }
0xbd: {  	[tilespmem:v18+s17+$0x0] =	vst.idx.msk $0xffff, v17  }
0xbe: {  	v18 =	vadd.s32 v23, v19;
	v17 =	vld [tilespmem:s28+$0xFFFFFFE0];
	_ =	sdelay $0x4  }
0xbf: {  	[tilespmem:v18+s17+$0x0] =	vst.idx.msk $0xffff, v17  }
0xc0: {  	s31 =	sadd.s32 $0xFFFFFFFD, s26;
	v18 =	vadd.s32 v24, v19;
	v17 =	vld [tilespmem:s28+$0xFFFFFFF0]  }
0xc1: {  	v19 =	vmov s31  }
0xc2: {  	v19 =	vshrl.u32 v19, $0x3  }
0xc3: {  	v19 =	vshll.u32 v19, v16  }
0xc4: {  	v19 =	vbroadcast v19, $0x0  }
0xc5: {  	[tilespmem:v18+s17+$0x0] =	vst.idx.msk $0xffff, v17  }
0xc6: {  	v18 =	vadd.s32 v25, v19;
	v17 =	vld [tilespmem:s28+$0x0];
	_ =	sdelay $0x4  }
0xc7: {  	[tilespmem:v18+s17+$0x0] =	vst.idx.msk $0xffff, v17  }
0xc8: {  	s30 =	sadd.s32 $0xFFFFFFFE, s26;
	v18 =	vadd.s32 v26, v19;
	v17 =	vld [tilespmem:s28+$0x10]  }
0xc9: {  	v19 =	vmov s30  }
0xca: {  	v19 =	vshrl.u32 v19, $0x3  }
0xcb: {  	v19 =	vshll.u32 v19, v16  }
0xcc: {  	v19 =	vbroadcast v19, $0x0  }
0xcd: {  	[tilespmem:v18+s17+$0x0] =	vst.idx.msk $0xffff, v17  }
0xce: {  	v18 =	vadd.s32 v27, v19;
	v17 =	vld [tilespmem:s28+$0x20];
	_ =	sdelay $0x4  }
0xcf: {  	[tilespmem:v18+s17+$0x0] =	vst.idx.msk $0xffff, v17  }
0xd0: {  	s31 =	sadd.s32 $0xFFFFFFFF, s26;
	v18 =	vadd.s32 v28, v19;
	v17 =	vld [tilespmem:s28+$0x30]  }
0xd1: {  	v19 =	vmov s31  }
0xd2: {  	v19 =	vshrl.u32 v19, $0x3  }
0xd3: {  	v19 =	vshll.u32 v19, v16  }
0xd4: {  	v19 =	vbroadcast v19, $0x0  }
0xd5: {  	[tilespmem:v18+s17+$0x0] =	vst.idx.msk $0xffff, v17  }
0xd6: {  	v18 =	vadd.s32 v29, v19;
	v17 =	vld [tilespmem:s28+$0x40];
	_ =	sdelay $0x4  }
0xd7: {  	[tilespmem:v18+s17+$0x0] =	vst.idx.msk $0xffff, v17  }
0xd8: {  	v18 =	vadd.s32 v30, v19;
	v17 =	vld [tilespmem:s28+$0x50]  }
0xd9: {  	v19 =	vmov s26  }
0xda: {  	v19 =	vshrl.u32 v19, $0x3  }
0xdb: {  	v19 =	vshll.u32 v19, v16  }
0xdc: {  	v19 =	vbroadcast v19, $0x0  }
0xdd: {  	[tilespmem:v18+s17+$0x0] =	vst.idx.msk $0xffff, v17  }
0xde: {  	v18 =	vadd.s32 v31, v19;
	v17 =	vld [tilespmem:s28+$0x60];
	_ =	sdelay $0x4  }
0xdf: {  	s24 =	sadd.s32 $0x1, s24;
	[tilespmem:v18+s17+$0x0] =	vst.idx.msk $0xffff, v17  }
0xe0: {  	p0 =	sne.s32 s24, $0x4;
	v18 =	vadd.s32 v32, v19;
	v17 =	vld [tilespmem:s28+$0x70]  }
.Ltmp1:
0xe1: {  	_ = 	snop;
	(pc) =	sbr.rel @p0 .LBB2_3-.Ltmp1, $2  }
0xe2: {  	_ =	sdelay $0x2  }
0xe3: {  	s25 =	sadd.s32 $0x1000, s25;
	[tilespmem:v18+s17+$0x0] =	vst.idx.msk $0xffff, v17  }
0xe4: {  	s24 =	sshll.u32 s23, $0xB;
	s23 =	sshll.u32 s23, $0x6  }
0xe5: {  	s24 =	sand.u32 $0xFF80000, s24;
	s25 =	sand.u32 $0x3F80, s23  }
0xe6: {  	s24 =	sor.u32 s25, s24  }
0xe7: {  	s31 =	simm.s32 $0x8400;
	s26 =	sadd.s32 s2, s24  }
0xe8: {  	[hbm4b:s26+s3] =	stream.linear.scatter [tilespmem:s31], [sflag:$0x3], $0x80, $0x38;
	[tilespmem:$0x10C00] =	vst v63  }
0xe9: {  	s31 =	simm.s32 $0x8488;
	s28 =	sadd.s32 $0x10, s26  }
0xea: {  	[hbm4b:s28+s3] =	stream.linear.scatter [tilespmem:s31], [sflag:$0x3], $0x80, $0x38;
	[tilespmem:$0x10C00] =	vst v63  }
0xeb: {  	s31 =	simm.s32 $0x8510;
	s28 =	sadd.s32 $0x20, s26  }
0xec: {  	[hbm4b:s28+s3] =	stream.linear.scatter [tilespmem:s31], [sflag:$0x3], $0x80, $0x38;
	[tilespmem:$0x10C00] =	vst v63  }
0xed: {  	s31 =	simm.s32 $0x8598;
	s28 =	sadd.s32 $0x30, s26  }
0xee: {  	[hbm4b:s28+s3] =	stream.linear.scatter [tilespmem:s31], [sflag:$0x3], $0x80, $0x38;
	[tilespmem:$0x10C00] =	vst v63  }
0xef: {  	s31 =	simm.s32 $0x8620;
	s28 =	sadd.s32 $0x40, s26  }
0xf0: {  	[hbm4b:s28+s3] =	stream.linear.scatter [tilespmem:s31], [sflag:$0x3], $0x80, $0x38;
	[tilespmem:$0x10C00] =	vst v63  }
0xf1: {  	s29 =	simm.s32 $0x87B8;
	s31 =	simm.s32 $0x86A8;
	s28 =	sadd.s32 $0x50, s26  }
0xf2: {  	[hbm4b:s28+s3] =	stream.linear.scatter [tilespmem:s31], [sflag:$0x3], $0x80, $0x38;
	[tilespmem:$0x10C00] =	vst v63  }
0xf3: {  	s25 =	simm.s32 $0x440;
	s31 =	simm.s32 $0x8730;
	s28 =	sadd.s32 $0x60, s26  }
0xf4: {  	[hbm4b:s28+s3] =	stream.linear.scatter [tilespmem:s31], [sflag:$0x3], $0x80, $0x38;
	[tilespmem:$0x10C00] =	vst v63  }
0xf5: {  	s30 =	sadd.s32 $0x70, s26;
	s26 =	sadd.s32 $0x4000, s26;
	s28 =	simm.s32 $0x2200  }
.LBB2_7:
0xf6: {  	[hbm4b:s30+s3] =	stream.linear.scatter [tilespmem:s29], [sflag:$0x3], $0x80, $0x38;
	[tilespmem:$0x10C00] =	vst v63  }
0xf7: {  	s29 =	smov.u32 s25;
	s25 =	smov.u32 s28  }
0xf8: {  	s31 =	sadd.s32 $0x1100, s28;
	s25 =	sshra.s32 s25, $0x2;
	s30 =	sadd.s32 $0x8400, s29  }
0xf9: {  	[hbm4b:s26+s3] =	stream.linear.scatter [tilespmem:s30], [sflag:$0x3], $0x80, $0x38;
	[tilespmem:$0x10C00] =	vst v63  }
0xfa: {  	p0 =	sne.s32 s28, $0xFF00;
	s28 =	sadd.s32 $0x8488, s29;
	s30 =	sadd.s32 $0x10, s26  }
0xfb: {  	[hbm4b:s30+s3] =	stream.linear.scatter [tilespmem:s28], [sflag:$0x3], $0x80, $0x38;
	[tilespmem:$0x10C00] =	vst v63  }
0xfc: {  	s28 =	sadd.s32 $0x8510, s29;
	s30 =	sadd.s32 $0x20, s26  }
0xfd: {  	[hbm4b:s30+s3] =	stream.linear.scatter [tilespmem:s28], [sflag:$0x3], $0x80, $0x38;
	[tilespmem:$0x10C00] =	vst v63  }
0xfe: {  	s28 =	sadd.s32 $0x8598, s29;
	s30 =	sadd.s32 $0x30, s26  }
0xff: {  	[hbm4b:s30+s3] =	stream.linear.scatter [tilespmem:s28], [sflag:$0x3], $0x80, $0x38;
	[tilespmem:$0x10C00] =	vst v63  }
0x100: {  	s28 =	sadd.s32 $0x8620, s29;
	s30 =	sadd.s32 $0x40, s26  }
0x101: {  	[hbm4b:s30+s3] =	stream.linear.scatter [tilespmem:s28], [sflag:$0x3], $0x80, $0x38;
	[tilespmem:$0x10C00] =	vst v63  }
.Ltmp2:
0x102: {  	s28 =	sadd.s32 $0x86A8, s29;
	s30 =	sadd.s32 $0x50, s26;
	(pc) =	sbr.rel @p0 .LBB2_7-.Ltmp2, $4  }
0x103: {  	[hbm4b:s30+s3] =	stream.linear.scatter [tilespmem:s28], [sflag:$0x3], $0x80, $0x38;
	[tilespmem:$0x10C00] =	vst v63  }
0x104: {  	s28 =	sadd.s32 $0x8730, s29;
	s30 =	sadd.s32 $0x60, s26;
	s29 =	sadd.s32 $0x87B8, s29  }
0x105: {  	[hbm4b:s30+s3] =	stream.linear.scatter [tilespmem:s28], [sflag:$0x3], $0x80, $0x38;
	[tilespmem:$0x10C00] =	vst v63  }
0x106: {  	s30 =	sadd.s32 $0x70, s26;
	s26 =	sadd.s32 $0x4000, s26;
	s28 =	smov.u32 s31  }
0x107: {  	[hbm4b:s30+s3] =	stream.linear.scatter [tilespmem:s29], [sflag:$0x3], $0x80, $0x38;
	[tilespmem:$0x10C00] =	vst v63  }
0x108: {  	s28 =	sadd.s32 $0x8400, s25  }
0x109: {  	[hbm4b:s26+s3] =	stream.linear.scatter [tilespmem:s28], [sflag:$0x3], $0x80, $0x38;
	[tilespmem:$0x10C00] =	vst v63  }
0x10a: {  	s30 =	sadd.s32 $0x8488, s25;
	s31 =	sadd.s32 $0x10, s26  }
0x10b: {  	[hbm4b:s31+s3] =	stream.linear.scatter [tilespmem:s30], [sflag:$0x3], $0x80, $0x38;
	[tilespmem:$0x10C00] =	vst v63  }
0x10c: {  	s30 =	sadd.s32 $0x8510, s25;
	s31 =	sadd.s32 $0x20, s26  }
0x10d: {  	[hbm4b:s31+s3] =	stream.linear.scatter [tilespmem:s30], [sflag:$0x3], $0x80, $0x38;
	[tilespmem:$0x10C00] =	vst v63  }
0x10e: {  	s30 =	sadd.s32 $0x8598, s25;
	s31 =	sadd.s32 $0x30, s26  }
0x10f: {  	[hbm4b:s31+s3] =	stream.linear.scatter [tilespmem:s30], [sflag:$0x3], $0x80, $0x38;
	[tilespmem:$0x10C00] =	vst v63  }
0x110: {  	s30 =	sadd.s32 $0x8620, s25;
	s31 =	sadd.s32 $0x40, s26  }
0x111: {  	[hbm4b:s31+s3] =	stream.linear.scatter [tilespmem:s30], [sflag:$0x3], $0x80, $0x38;
	[tilespmem:$0x10C00] =	vst v63  }
0x112: {  	p0 =	sne.s32 s22, $0x63;
	s30 =	sadd.s32 $0x86A8, s25;
	s31 =	sadd.s32 $0x50, s26  }
0x113: {  	[hbm4b:s31+s3] =	stream.linear.scatter [tilespmem:s30], [sflag:$0x3], $0x80, $0x38;
	[tilespmem:$0x10C00] =	vst v63  }
.Ltmp3:
0x114: {  	_ = 	snop;
	(pc) =	sbr.rel @p0 .LBB2_10-.Ltmp3, $4  }
0x115: {  	s30 =	sadd.s32 $0x8730, s25;
	s31 =	sadd.s32 $0x60, s26  }
0x116: {  	[hbm4b:s31+s3] =	stream.linear.scatter [tilespmem:s30], [sflag:$0x3], $0x80, $0x38;
	[tilespmem:$0x10C00] =	vst v63  }
0x117: {  	s30 =	sadd.s32 $0x87B8, s25;
	s31 =	sadd.s32 $0x70, s26  }
0x118: {  	[hbm4b:s31+s3] =	stream.linear.scatter [tilespmem:s30], [sflag:$0x3], $0x80, $0x38;
	[tilespmem:$0x10C00] =	vst v63  }
.Ltmp4:
0x119: {  	(pc) =	sbr.rel .LBB2_11-.Ltmp4, $4  }
0x11a: {  	_ = 	snop  }
0x11b: {  	_ =	swait.ge [sflag:s15], $0x4000  }
0x11c: {  	[sflag:s15] =	ssyncset.done $0x0  }
0x11d: {  	[sflag:s15] =	ssyncadd.s32 $0xFFFFC000  }
.LBB2_10:
0x11e: {  	s25 =	sadd.s32 s23, s8  }
0x11f: {  	[tilespmem:s3], [sflag:$0x1] =	stream.linear.gather [hbm4b:s25+s3], $0x200, $0x38;
	[tilespmem:$0x10C00] =	vst v63  }
0x120: {  	_ =	swait.ge [sflag:s12], $0x200  }
0x121: {  	[sflag:s12] =	ssyncset.done $0x0  }
.Ltmp5:
0x122: {  	[sflag:s12] =	ssyncadd.s32 $0xFFFFFE00;
	(pc) =	sbr.rel @p1 .LBB2_12-.Ltmp5, $4  }
0x123: {  	[tilespmem:s14], [sflag:$0x1] =	stream.indirect.gather [hbm4b:s4+s13], $0x20, s3, s13, $0xb8;
	[tilespmem:$0x10C00] =	vst v63  }
0x124: {  	_ =	swait.ge [sflag:s15], $0x4000  }
0x125: {  	[sflag:s15] =	ssyncset.done $0x0  }
0x126: {  	[sflag:s15] =	ssyncadd.s32 $0xFFFFC000  }
.LBB2_11:
0x127: {  	_ =	swait.ge [sflag:s18], $0x4000  }
0x128: {  	[sflag:s18] =	ssyncset.done $0x0  }
0x129: {  	[sflag:s18] =	ssyncadd.s32 $0xFFFFC000  }
.LBB2_12:
0x12a: {  	s22 =	sadd.s32 $0x1, s22;
	s25 =	simm.s32 $0x0;
	s26 =	simm.s32 $0x4480  }
.LBB2_13:
0x12b: {  	v17 =	vmov s25;
	s28 =	simm.s32 $0x0  }
0x12c: {  	v17 =	vmul.u32 $0x1100, v17;
	v18 =	vmov s28  }
0x12d: {  	v18 =	vshrl.u32 v18, $0x3  }
0x12e: {  	v32 =	vbroadcast v17, $0x0;
	v17 =	vshll.u32 v18, v16  }
0x12f: {  	v19 =	vbroadcast v17, $0x0  }
0x130: {  	v17 =	vadd.s32 v0, v32  }
0x131: {  	v20 =	vld [tilespmem:s26+$0xFFFFFF80];
	v21 =	vadd.s32 v17, v19;
	_ =	sdelay $0x4  }
0x132: {  	v18 =	vadd.s32 v8, v32;
	[tilespmem:v21+s19+$0x0] =	vst.idx.msk $0xffff, v20  }
0x133: {  	s28 =	simm.s32 $0x1;
	v21 =	vadd.s32 v18, v19;
	v20 =	vld [tilespmem:s26+$0xFFFFFF90]  }
0x134: {  	v19 =	vmov s28  }
0x135: {  	v19 =	vshrl.u32 v19, $0x3  }
0x136: {  	v19 =	vshll.u32 v19, v16  }
0x137: {  	v22 =	vbroadcast v19, $0x0  }
0x138: {  	v19 =	vadd.s32 v1, v32;
	[tilespmem:v21+s19+$0x0] =	vst.idx.msk $0xffff, v20  }
0x139: {  	v23 =	vadd.s32 v19, v22;
	v21 =	vld [tilespmem:s26+$0xFFFFFFA0];
	_ =	sdelay $0x4  }
0x13a: {  	v20 =	vadd.s32 v9, v32;
	[tilespmem:v23+s19+$0x0] =	vst.idx.msk $0xffff, v21  }
0x13b: {  	s28 =	simm.s32 $0x2;
	v22 =	vadd.s32 v20, v22;
	v23 =	vld [tilespmem:s26+$0xFFFFFFB0]  }
0x13c: {  	v21 =	vmov s28  }
0x13d: {  	v21 =	vshrl.u32 v21, $0x3  }
0x13e: {  	v21 =	vshll.u32 v21, v16  }
0x13f: {  	v24 =	vbroadcast v21, $0x0  }
0x140: {  	v21 =	vadd.s32 v2, v32;
	[tilespmem:v22+s19+$0x0] =	vst.idx.msk $0xffff, v23  }
0x141: {  	v25 =	vadd.s32 v21, v24;
	v23 =	vld [tilespmem:s26+$0xFFFFFFC0];
	_ =	sdelay $0x4  }
0x142: {  	v22 =	vadd.s32 v10, v32;
	[tilespmem:v25+s19+$0x0] =	vst.idx.msk $0xffff, v23  }
0x143: {  	s28 =	simm.s32 $0x3;
	v24 =	vadd.s32 v22, v24;
	v25 =	vld [tilespmem:s26+$0xFFFFFFD0]  }
0x144: {  	v23 =	vmov s28  }
0x145: {  	v23 =	vshrl.u32 v23, $0x3  }
0x146: {  	v23 =	vshll.u32 v23, v16  }
0x147: {  	v26 =	vbroadcast v23, $0x0  }
0x148: {  	v23 =	vadd.s32 v3, v32;
	[tilespmem:v24+s19+$0x0] =	vst.idx.msk $0xffff, v25  }
0x149: {  	v27 =	vadd.s32 v23, v26;
	v25 =	vld [tilespmem:s26+$0xFFFFFFE0];
	_ =	sdelay $0x4  }
0x14a: {  	v24 =	vadd.s32 v11, v32;
	[tilespmem:v27+s19+$0x0] =	vst.idx.msk $0xffff, v25  }
0x14b: {  	s28 =	simm.s32 $0x4;
	v26 =	vadd.s32 v24, v26;
	v27 =	vld [tilespmem:s26+$0xFFFFFFF0]  }
0x14c: {  	v25 =	vmov s28  }
0x14d: {  	v25 =	vshrl.u32 v25, $0x3  }
0x14e: {  	v25 =	vshll.u32 v25, v16  }
0x14f: {  	v28 =	vbroadcast v25, $0x0  }
0x150: {  	v25 =	vadd.s32 v4, v32;
	[tilespmem:v26+s19+$0x0] =	vst.idx.msk $0xffff, v27  }
0x151: {  	v29 =	vadd.s32 v25, v28;
	v27 =	vld [tilespmem:s26+$0x0];
	_ =	sdelay $0x4  }
0x152: {  	v26 =	vadd.s32 v12, v32;
	[tilespmem:v29+s19+$0x0] =	vst.idx.msk $0xffff, v27  }
0x153: {  	s28 =	simm.s32 $0x5;
	v28 =	vadd.s32 v26, v28;
	v29 =	vld [tilespmem:s26+$0x10]  }
0x154: {  	v27 =	vmov s28  }
0x155: {  	v27 =	vshrl.u32 v27, $0x3  }
0x156: {  	v27 =	vshll.u32 v27, v16  }
0x157: {  	v30 =	vbroadcast v27, $0x0  }
0x158: {  	v27 =	vadd.s32 v5, v32;
	[tilespmem:v28+s19+$0x0] =	vst.idx.msk $0xffff, v29  }
0x159: {  	v31 =	vadd.s32 v27, v30;
	v29 =	vld [tilespmem:s26+$0x20];
	_ =	sdelay $0x4  }
0x15a: {  	v28 =	vadd.s32 v13, v32;
	[tilespmem:v31+s19+$0x0] =	vst.idx.msk $0xffff, v29  }
0x15b: {  	s28 =	simm.s32 $0x6;
	v30 =	vadd.s32 v28, v30;
	v31 =	vld [tilespmem:s26+$0x30]  }
0x15c: {  	v29 =	vmov s28  }
0x15d: {  	v29 =	vshrl.u32 v29, $0x3  }
0x15e: {  	v29 =	vshll.u32 v29, v16  }
0x15f: {  	v33 =	vbroadcast v29, $0x0  }
0x160: {  	v29 =	vadd.s32 v6, v32;
	[tilespmem:v30+s19+$0x0] =	vst.idx.msk $0xffff, v31  }
0x161: {  	v34 =	vadd.s32 v29, v33;
	v31 =	vld [tilespmem:s26+$0x40];
	_ =	sdelay $0x4  }
0x162: {  	v30 =	vadd.s32 v14, v32;
	[tilespmem:v34+s19+$0x0] =	vst.idx.msk $0xffff, v31  }
0x163: {  	s28 =	simm.s32 $0x7;
	v33 =	vadd.s32 v30, v33;
	v34 =	vld [tilespmem:s26+$0x50]  }
0x164: {  	v31 =	vmov s28  }
0x165: {  	v31 =	vshrl.u32 v31, $0x3  }
0x166: {  	v31 =	vshll.u32 v31, v16  }
0x167: {  	v35 =	vbroadcast v31, $0x0  }
0x168: {  	v31 =	vadd.s32 v7, v32;
	[tilespmem:v33+s19+$0x0] =	vst.idx.msk $0xffff, v34  }
0x169: {  	v63 =	vadd.s32 v31, v35;
	v33 =	vld [tilespmem:s26+$0x60];
	_ =	sdelay $0x4  }
0x16a: {  	s31 =	simm.s32 $0x8;
	v32 =	vadd.s32 v15, v32;
	[tilespmem:v63+s19+$0x0] =	vst.idx.msk $0xffff, v33  }
0x16b: {  	s30 =	simm.s32 $0x17;
	s29 =	smov.u32 s26;
	s28 =	simm.s32 $0xF;
	v34 =	vadd.s32 v32, v35;
	v33 =	vld [tilespmem:s26+$0x70]  }
.LBB2_14:
0x16c: {  	p1 =	sne.s32 s30, $0x7F;
	v35 =	vmov s31  }
0x16d: {  	v35 =	vshrl.u32 v35, $0x3  }
0x16e: {  	v35 =	vshll.u32 v35, v16  }
0x16f: {  	v35 =	vbroadcast v35, $0x0  }
0x170: {  	s29 =	sadd.s32 $0x100, s29;
	[tilespmem:v34+s19+$0x0] =	vst.idx.msk $0xffff, v33  }
0x171: {  	v33 =	vld [tilespmem:s29+$0xFFFFFF80];
	v34 =	vadd.s32 v17, v35;
	_ =	sdelay $0x4  }
0x172: {  	[tilespmem:v34+s19+$0x0] =	vst.idx.msk $0xffff, v33  }
0x173: {  	s31 =	sadd.s32 $0xFFFFFFFA, s28;
	v34 =	vadd.s32 v18, v35;
	v33 =	vld [tilespmem:s29+$0xFFFFFF90]  }
0x174: {  	v35 =	vmov s31  }
0x175: {  	v35 =	vshrl.u32 v35, $0x3  }
0x176: {  	v35 =	vshll.u32 v35, v16  }
0x177: {  	v35 =	vbroadcast v35, $0x0  }
0x178: {  	[tilespmem:v34+s19+$0x0] =	vst.idx.msk $0xffff, v33  }
0x179: {  	v34 =	vadd.s32 v19, v35;
	v33 =	vld [tilespmem:s29+$0xFFFFFFA0];
	_ =	sdelay $0x4  }
0x17a: {  	[tilespmem:v34+s19+$0x0] =	vst.idx.msk $0xffff, v33  }
0x17b: {  	s31 =	sadd.s32 $0xFFFFFFFB, s28;
	v34 =	vadd.s32 v20, v35;
	v33 =	vld [tilespmem:s29+$0xFFFFFFB0]  }
0x17c: {  	v35 =	vmov s31  }
0x17d: {  	v35 =	vshrl.u32 v35, $0x3  }
0x17e: {  	v35 =	vshll.u32 v35, v16  }
0x17f: {  	v35 =	vbroadcast v35, $0x0  }
0x180: {  	[tilespmem:v34+s19+$0x0] =	vst.idx.msk $0xffff, v33  }
0x181: {  	v34 =	vadd.s32 v21, v35;
	v33 =	vld [tilespmem:s29+$0xFFFFFFC0];
	_ =	sdelay $0x4  }
0x182: {  	[tilespmem:v34+s19+$0x0] =	vst.idx.msk $0xffff, v33  }
0x183: {  	s31 =	sadd.s32 $0xFFFFFFFC, s28;
	v34 =	vadd.s32 v22, v35;
	v33 =	vld [tilespmem:s29+$0xFFFFFFD0]  }
0x184: {  	v35 =	vmov s31  }
0x185: {  	v35 =	vshrl.u32 v35, $0x3  }
0x186: {  	v35 =	vshll.u32 v35, v16  }
0x187: {  	v35 =	vbroadcast v35, $0x0  }
0x188: {  	[tilespmem:v34+s19+$0x0] =	vst.idx.msk $0xffff, v33  }
0x189: {  	v34 =	vadd.s32 v23, v35;
	v33 =	vld [tilespmem:s29+$0xFFFFFFE0];
	_ =	sdelay $0x4  }
0x18a: {  	[tilespmem:v34+s19+$0x0] =	vst.idx.msk $0xffff, v33  }
0x18b: {  	s31 =	sadd.s32 $0xFFFFFFFD, s28;
	v34 =	vadd.s32 v24, v35;
	v33 =	vld [tilespmem:s29+$0xFFFFFFF0]  }
0x18c: {  	v35 =	vmov s31  }
0x18d: {  	v35 =	vshrl.u32 v35, $0x3  }
0x18e: {  	v35 =	vshll.u32 v35, v16  }
0x18f: {  	v35 =	vbroadcast v35, $0x0  }
0x190: {  	[tilespmem:v34+s19+$0x0] =	vst.idx.msk $0xffff, v33  }
0x191: {  	v34 =	vadd.s32 v25, v35;
	v33 =	vld [tilespmem:s29+$0x0];
	_ =	sdelay $0x4  }
0x192: {  	[tilespmem:v34+s19+$0x0] =	vst.idx.msk $0xffff, v33  }
0x193: {  	s31 =	sadd.s32 $0xFFFFFFFE, s28;
	v34 =	vadd.s32 v26, v35;
	v33 =	vld [tilespmem:s29+$0x10]  }
0x194: {  	v35 =	vmov s31  }
0x195: {  	v35 =	vshrl.u32 v35, $0x3  }
0x196: {  	v35 =	vshll.u32 v35, v16  }
0x197: {  	v35 =	vbroadcast v35, $0x0  }
0x198: {  	[tilespmem:v34+s19+$0x0] =	vst.idx.msk $0xffff, v33  }
0x199: {  	v34 =	vadd.s32 v27, v35;
	v33 =	vld [tilespmem:s29+$0x20];
	_ =	sdelay $0x4  }
0x19a: {  	[tilespmem:v34+s19+$0x0] =	vst.idx.msk $0xffff, v33  }
0x19b: {  	s31 =	sadd.s32 $0xFFFFFFFF, s28;
	v34 =	vadd.s32 v28, v35;
	v33 =	vld [tilespmem:s29+$0x30]  }
0x19c: {  	v35 =	vmov s31  }
0x19d: {  	v35 =	vshrl.u32 v35, $0x3  }
0x19e: {  	v35 =	vshll.u32 v35, v16  }
0x19f: {  	v35 =	vbroadcast v35, $0x0  }
0x1a0: {  	[tilespmem:v34+s19+$0x0] =	vst.idx.msk $0xffff, v33  }
0x1a1: {  	v34 =	vadd.s32 v29, v35;
	v33 =	vld [tilespmem:s29+$0x40];
	_ =	sdelay $0x4  }
0x1a2: {  	[tilespmem:v34+s19+$0x0] =	vst.idx.msk $0xffff, v33  }
0x1a3: {  	v34 =	vadd.s32 v30, v35;
	v33 =	vld [tilespmem:s29+$0x50]  }
0x1a4: {  	v35 =	vmov s28;
	s28 =	smov.u32 s30  }
0x1a5: {  	v35 =	vshrl.u32 v35, $0x3  }
0x1a6: {  	v35 =	vshll.u32 v35, v16  }
0x1a7: {  	v35 =	vbroadcast v35, $0x0  }
0x1a8: {  	[tilespmem:v34+s19+$0x0] =	vst.idx.msk $0xffff, v33  }
0x1a9: {  	v34 =	vadd.s32 v31, v35;
	v33 =	vld [tilespmem:s29+$0x60];
	_ =	sdelay $0x1  }
.Ltmp6:
0x1aa: {  	(pc) =	sbr.rel @p1 .LBB2_14-.Ltmp6, $3  }
0x1ab: {  	_ =	sdelay $0x1  }
0x1ac: {  	[tilespmem:v34+s19+$0x0] =	vst.idx.msk $0xffff, v33  }
0x1ad: {  	s30 =	sadd.s32 $0x8, s30;
	s31 =	sadd.s32 $0xFFFFFFF9, s28;
	v34 =	vadd.s32 v32, v35;
	v33 =	vld [tilespmem:s29+$0x70]  }
0x1ae: {  	v35 =	vmov s31  }
0x1af: {  	v35 =	vshrl.u32 v35, $0x3  }
0x1b0: {  	v35 =	vshll.u32 v35, v16  }
0x1b1: {  	v35 =	vbroadcast v35, $0x0  }
0x1b2: {  	s29 =	sadd.s32 $0x100, s29;
	[tilespmem:v34+s19+$0x0] =	vst.idx.msk $0xffff, v33  }
0x1b3: {  	v33 =	vld [tilespmem:s29+$0xFFFFFF80];
	v17 =	vadd.s32 v17, v35;
	_ =	sdelay $0x4  }
0x1b4: {  	[tilespmem:v17+s19+$0x0] =	vst.idx.msk $0xffff, v33  }
0x1b5: {  	s30 =	sadd.s32 $0xFFFFFFFA, s28;
	v18 =	vadd.s32 v18, v35;
	v17 =	vld [tilespmem:s29+$0xFFFFFF90]  }
0x1b6: {  	v63 =	vmov s30  }
0x1b7: {  	v33 =	vshrl.u32 v63, $0x3  }
0x1b8: {  	v33 =	vshll.u32 v33, v16  }
0x1b9: {  	v33 =	vbroadcast v33, $0x0  }
0x1ba: {  	[tilespmem:v18+s19+$0x0] =	vst.idx.msk $0xffff, v17  }
0x1bb: {  	v18 =	vadd.s32 v19, v33;
	v17 =	vld [tilespmem:s29+$0xFFFFFFA0];
	_ =	sdelay $0x4  }
0x1bc: {  	[tilespmem:v18+s19+$0x0] =	vst.idx.msk $0xffff, v17  }
0x1bd: {  	s31 =	sadd.s32 $0xFFFFFFFB, s28;
	v18 =	vadd.s32 v20, v33;
	v17 =	vld [tilespmem:s29+$0xFFFFFFB0]  }
0x1be: {  	v19 =	vmov s31  }
0x1bf: {  	v19 =	vshrl.u32 v19, $0x3  }
0x1c0: {  	v19 =	vshll.u32 v19, v16  }
0x1c1: {  	v19 =	vbroadcast v19, $0x0  }
0x1c2: {  	[tilespmem:v18+s19+$0x0] =	vst.idx.msk $0xffff, v17  }
0x1c3: {  	v18 =	vadd.s32 v21, v19;
	v17 =	vld [tilespmem:s29+$0xFFFFFFC0];
	_ =	sdelay $0x4  }
0x1c4: {  	[tilespmem:v18+s19+$0x0] =	vst.idx.msk $0xffff, v17  }
0x1c5: {  	s31 =	sadd.s32 $0xFFFFFFFC, s28;
	v18 =	vadd.s32 v22, v19;
	v17 =	vld [tilespmem:s29+$0xFFFFFFD0]  }
0x1c6: {  	v19 =	vmov s31  }
0x1c7: {  	v19 =	vshrl.u32 v19, $0x3  }
0x1c8: {  	v19 =	vshll.u32 v19, v16  }
0x1c9: {  	v19 =	vbroadcast v19, $0x0  }
0x1ca: {  	[tilespmem:v18+s19+$0x0] =	vst.idx.msk $0xffff, v17  }
0x1cb: {  	v18 =	vadd.s32 v23, v19;
	v17 =	vld [tilespmem:s29+$0xFFFFFFE0];
	_ =	sdelay $0x4  }
0x1cc: {  	[tilespmem:v18+s19+$0x0] =	vst.idx.msk $0xffff, v17  }
0x1cd: {  	s31 =	sadd.s32 $0xFFFFFFFD, s28;
	v18 =	vadd.s32 v24, v19;
	v17 =	vld [tilespmem:s29+$0xFFFFFFF0]  }
0x1ce: {  	v19 =	vmov s31  }
0x1cf: {  	v19 =	vshrl.u32 v19, $0x3  }
0x1d0: {  	v19 =	vshll.u32 v19, v16  }
0x1d1: {  	v19 =	vbroadcast v19, $0x0  }
0x1d2: {  	[tilespmem:v18+s19+$0x0] =	vst.idx.msk $0xffff, v17  }
0x1d3: {  	v18 =	vadd.s32 v25, v19;
	v17 =	vld [tilespmem:s29+$0x0];
	_ =	sdelay $0x4  }
0x1d4: {  	[tilespmem:v18+s19+$0x0] =	vst.idx.msk $0xffff, v17  }
0x1d5: {  	s31 =	sadd.s32 $0xFFFFFFFE, s28;
	v18 =	vadd.s32 v26, v19;
	v17 =	vld [tilespmem:s29+$0x10]  }
0x1d6: {  	v19 =	vmov s31  }
0x1d7: {  	v19 =	vshrl.u32 v19, $0x3  }
0x1d8: {  	v19 =	vshll.u32 v19, v16  }
0x1d9: {  	v19 =	vbroadcast v19, $0x0  }
0x1da: {  	[tilespmem:v18+s19+$0x0] =	vst.idx.msk $0xffff, v17  }
0x1db: {  	v18 =	vadd.s32 v27, v19;
	v17 =	vld [tilespmem:s29+$0x20];
	_ =	sdelay $0x4  }
0x1dc: {  	[tilespmem:v18+s19+$0x0] =	vst.idx.msk $0xffff, v17  }
0x1dd: {  	s31 =	sadd.s32 $0xFFFFFFFF, s28;
	v18 =	vadd.s32 v28, v19;
	v17 =	vld [tilespmem:s29+$0x30]  }
0x1de: {  	v19 =	vmov s31  }
0x1df: {  	v19 =	vshrl.u32 v19, $0x3  }
0x1e0: {  	v19 =	vshll.u32 v19, v16  }
0x1e1: {  	v19 =	vbroadcast v19, $0x0  }
0x1e2: {  	[tilespmem:v18+s19+$0x0] =	vst.idx.msk $0xffff, v17  }
0x1e3: {  	v18 =	vadd.s32 v29, v19;
	v17 =	vld [tilespmem:s29+$0x40];
	_ =	sdelay $0x4  }
0x1e4: {  	[tilespmem:v18+s19+$0x0] =	vst.idx.msk $0xffff, v17  }
0x1e5: {  	v18 =	vadd.s32 v30, v19;
	v17 =	vld [tilespmem:s29+$0x50]  }
0x1e6: {  	v19 =	vmov s28  }
0x1e7: {  	v19 =	vshrl.u32 v19, $0x3  }
0x1e8: {  	v19 =	vshll.u32 v19, v16  }
0x1e9: {  	v19 =	vbroadcast v19, $0x0  }
0x1ea: {  	[tilespmem:v18+s19+$0x0] =	vst.idx.msk $0xffff, v17  }
0x1eb: {  	v18 =	vadd.s32 v31, v19;
	v17 =	vld [tilespmem:s29+$0x60];
	_ =	sdelay $0x4  }
0x1ec: {  	s25 =	sadd.s32 $0x1, s25;
	[tilespmem:v18+s19+$0x0] =	vst.idx.msk $0xffff, v17  }
0x1ed: {  	p1 =	sne.s32 s25, $0x4;
	v18 =	vadd.s32 v32, v19;
	v17 =	vld [tilespmem:s29+$0x70]  }
.Ltmp7:
0x1ee: {  	_ = 	snop;
	(pc) =	sbr.rel @p1 .LBB2_13-.Ltmp7, $2  }
0x1ef: {  	_ =	sdelay $0x2  }
0x1f0: {  	s26 =	sadd.s32 $0x1000, s26;
	[tilespmem:v18+s19+$0x0] =	vst.idx.msk $0xffff, v17  }
0x1f1: {  	s25 =	sadd.s32 s24, s9;
	s30 =	simm.s32 $0xC800  }
0x1f2: {  	[hbm4b:s25+s3] =	stream.linear.scatter [tilespmem:s30], [sflag:$0x4], $0x80, $0x38;
	[tilespmem:$0x10C00] =	vst v63  }
0x1f3: {  	s31 =	simm.s32 $0xC888;
	s26 =	sadd.s32 $0x10, s25  }
0x1f4: {  	[hbm4b:s26+s3] =	stream.linear.scatter [tilespmem:s31], [sflag:$0x4], $0x80, $0x38;
	[tilespmem:$0x10C00] =	vst v63  }
0x1f5: {  	s24 =	simm.s32 $0x440;
	s30 =	simm.s32 $0xC910;
	s31 =	sadd.s32 $0x20, s25  }
0x1f6: {  	[hbm4b:s31+s3] =	stream.linear.scatter [tilespmem:s30], [sflag:$0x4], $0x80, $0x38;
	[tilespmem:$0x10C00] =	vst v63  }
0x1f7: {  	s28 =	simm.s32 $0xCBB8;
	s30 =	simm.s32 $0xC998;
	s31 =	sadd.s32 $0x30, s25  }
0x1f8: {  	[hbm4b:s31+s3] =	stream.linear.scatter [tilespmem:s30], [sflag:$0x4], $0x80, $0x38;
	[tilespmem:$0x10C00] =	vst v63  }
0x1f9: {  	s29 =	sadd.s32 $0x70, s25;
	s30 =	simm.s32 $0xCA20;
	s31 =	sadd.s32 $0x40, s25  }
0x1fa: {  	[hbm4b:s31+s3] =	stream.linear.scatter [tilespmem:s30], [sflag:$0x4], $0x80, $0x38;
	[tilespmem:$0x10C00] =	vst v63  }
0x1fb: {  	s26 =	simm.s32 $0x2200;
	s30 =	simm.s32 $0xCAA8;
	s31 =	sadd.s32 $0x50, s25  }
0x1fc: {  	[hbm4b:s31+s3] =	stream.linear.scatter [tilespmem:s30], [sflag:$0x4], $0x80, $0x38;
	[tilespmem:$0x10C00] =	vst v63  }
0x1fd: {  	s30 =	simm.s32 $0xCB30;
	s31 =	sadd.s32 $0x60, s25;
	s25 =	sadd.s32 $0x4000, s25  }
0x1fe: {  	[hbm4b:s31+s3] =	stream.linear.scatter [tilespmem:s30], [sflag:$0x4], $0x80, $0x38;
	[tilespmem:$0x10C00] =	vst v63  }
.LBB2_17:
0x1ff: {  	[hbm4b:s29+s3] =	stream.linear.scatter [tilespmem:s28], [sflag:$0x4], $0x80, $0x38;
	[tilespmem:$0x10C00] =	vst v63  }
0x200: {  	s28 =	smov.u32 s24;
	s24 =	smov.u32 s26  }
0x201: {  	s30 =	sadd.s32 $0x1100, s26;
	s24 =	sshra.s32 s24, $0x2;
	s29 =	sadd.s32 $0xC800, s28  }
0x202: {  	[hbm4b:s25+s3] =	stream.linear.scatter [tilespmem:s29], [sflag:$0x4], $0x80, $0x38;
	[tilespmem:$0x10C00] =	vst v63  }
0x203: {  	p1 =	sne.s32 s26, $0xFF00;
	s26 =	sadd.s32 $0xC888, s28;
	s29 =	sadd.s32 $0x10, s25  }
0x204: {  	[hbm4b:s29+s3] =	stream.linear.scatter [tilespmem:s26], [sflag:$0x4], $0x80, $0x38;
	[tilespmem:$0x10C00] =	vst v63  }
0x205: {  	s26 =	sadd.s32 $0xC910, s28;
	s29 =	sadd.s32 $0x20, s25  }
0x206: {  	[hbm4b:s29+s3] =	stream.linear.scatter [tilespmem:s26], [sflag:$0x4], $0x80, $0x38;
	[tilespmem:$0x10C00] =	vst v63  }
0x207: {  	s26 =	sadd.s32 $0xC998, s28;
	s29 =	sadd.s32 $0x30, s25  }
0x208: {  	[hbm4b:s29+s3] =	stream.linear.scatter [tilespmem:s26], [sflag:$0x4], $0x80, $0x38;
	[tilespmem:$0x10C00] =	vst v63  }
0x209: {  	s26 =	sadd.s32 $0xCA20, s28;
	s29 =	sadd.s32 $0x40, s25  }
0x20a: {  	[hbm4b:s29+s3] =	stream.linear.scatter [tilespmem:s26], [sflag:$0x4], $0x80, $0x38;
	[tilespmem:$0x10C00] =	vst v63  }
.Ltmp8:
0x20b: {  	s26 =	sadd.s32 $0xCAA8, s28;
	s29 =	sadd.s32 $0x50, s25;
	(pc) =	sbr.rel @p1 .LBB2_17-.Ltmp8, $4  }
0x20c: {  	[hbm4b:s29+s3] =	stream.linear.scatter [tilespmem:s26], [sflag:$0x4], $0x80, $0x38;
	[tilespmem:$0x10C00] =	vst v63  }
0x20d: {  	s26 =	sadd.s32 $0xCB30, s28;
	s29 =	sadd.s32 $0x60, s25;
	s28 =	sadd.s32 $0xCBB8, s28  }
0x20e: {  	[hbm4b:s29+s3] =	stream.linear.scatter [tilespmem:s26], [sflag:$0x4], $0x80, $0x38;
	[tilespmem:$0x10C00] =	vst v63  }
0x20f: {  	s29 =	sadd.s32 $0x70, s25;
	s25 =	sadd.s32 $0x4000, s25;
	s26 =	smov.u32 s30  }
0x210: {  	[hbm4b:s29+s3] =	stream.linear.scatter [tilespmem:s28], [sflag:$0x4], $0x80, $0x38;
	[tilespmem:$0x10C00] =	vst v63  }
0x211: {  	s26 =	sadd.s32 $0xC800, s24  }
0x212: {  	[hbm4b:s25+s3] =	stream.linear.scatter [tilespmem:s26], [sflag:$0x4], $0x80, $0x38;
	[tilespmem:$0x10C00] =	vst v63  }
0x213: {  	s30 =	sadd.s32 $0xC888, s24;
	s31 =	sadd.s32 $0x10, s25  }
0x214: {  	[hbm4b:s31+s3] =	stream.linear.scatter [tilespmem:s30], [sflag:$0x4], $0x80, $0x38;
	[tilespmem:$0x10C00] =	vst v63  }
0x215: {  	s29 =	sadd.s32 $0xC910, s24;
	s30 =	sadd.s32 $0x20, s25  }
0x216: {  	[hbm4b:s30+s3] =	stream.linear.scatter [tilespmem:s29], [sflag:$0x4], $0x80, $0x38;
	[tilespmem:$0x10C00] =	vst v63  }
0x217: {  	s31 =	sadd.s32 $0xC998, s24;
	s29 =	sadd.s32 $0x30, s25  }
0x218: {  	[hbm4b:s29+s3] =	stream.linear.scatter [tilespmem:s31], [sflag:$0x4], $0x80, $0x38;
	[tilespmem:$0x10C00] =	vst v63  }
0x219: {  	s30 =	sadd.s32 $0xCA20, s24;
	s31 =	sadd.s32 $0x40, s25  }
0x21a: {  	[hbm4b:s31+s3] =	stream.linear.scatter [tilespmem:s30], [sflag:$0x4], $0x80, $0x38;
	[tilespmem:$0x10C00] =	vst v63  }
0x21b: {  	s29 =	sadd.s32 $0xCAA8, s24;
	s30 =	sadd.s32 $0x50, s25  }
0x21c: {  	[hbm4b:s30+s3] =	stream.linear.scatter [tilespmem:s29], [sflag:$0x4], $0x80, $0x38;
	[tilespmem:$0x10C00] =	vst v63  }
.Ltmp9:
0x21d: {  	_ = 	snop;
	(pc) =	sbr.rel @p0 .LBB2_2-.Ltmp9, $4  }
0x21e: {  	s31 =	sadd.s32 $0xCB30, s24;
	s29 =	sadd.s32 $0x60, s25  }
0x21f: {  	[hbm4b:s29+s3] =	stream.linear.scatter [tilespmem:s31], [sflag:$0x4], $0x80, $0x38;
	[tilespmem:$0x10C00] =	vst v63  }
0x220: {  	s23 =	sadd.s32 s23, s10;
	s30 =	sadd.s32 $0xCBB8, s24;
	s31 =	sadd.s32 $0x70, s25  }
0x221: {  	[hbm4b:s31+s3] =	stream.linear.scatter [tilespmem:s30], [sflag:$0x4], $0x80, $0x38;
	[tilespmem:$0x10C00] =	vst v63  }
0x222: {  	s21 =	sadd.s32 $0x1, s21  }
0x223: {  	_ =	swait.ge [sflag:s20], $0x4000;
	p0 =	sne.s32 s21, s11  }
.Ltmp10:
0x224: {  	[sflag:s20] =	ssyncset.done $0x0;
	(pc) =	sbr.rel @p0 .LBB2_1-.Ltmp10, $4  }
0x225: {  	[sflag:s20] =	ssyncadd.s32 $0xFFFFC000  }
0x226: {  	_ =	swait.ge [sflag:s18], $0x4000  }
0x227: {  	[sflag:s18] =	ssyncset.done $0x0  }
0x228: {  	[sflag:s18] =	ssyncadd.s32 $0xFFFFC000  }
0x229: {  	_ =	sfence.sel $0x180000  }
0x22a: {  	[bflag:$0x0] =	sbarrier.arrive $0xFFFF  }
0x22b: {  	p0 =	sne.s32 s0, $0x0;
	_ =	strace $0x90000047  }
0x22c: {  	s0 =	sadd.s32 @!p0 $0x100000, s1;
	[bflag:$0x2] =	sbarrier.arrive $0xFFFF  }
0x22d: {  	[sflag:s0] =	ssyncadd.tile.s32 @!p0 $0x1;
	_ =	shalt  }
.Lfunc_end2:
_tile_overlayer_lowered:
.L_overlay_start_2:
0x22e: {  	(tag) =	ssettag $0x2  }
0x22f: {  	s0 =	rddreg [dreg:$0x0];
	s2 =	stileid.u32  }
0x230: {  	s1 =	rddreg [dreg:$0x1];
	p0 =	sne.s32 s2, $0x0  }
0x231: {  	s3 =	rddreg [dreg:$0x2];
	[bflag:$0x3] =	sbarrier.arrive $0xFFFF;
	s2 =	simm.s32 @!p0 $0x1C05  }
0x232: {  	[timem:s3], [sflag:s2] =	dma.local @!p0 [hbm:s0], s1  }
0x233: {  	s0 =	simm.s32 @!p0 $0x5  }
0x234: {  	_ =	swait.ge @!p0 [sflag:s0], s1  }
0x235: {  	s1 =	ssub.s32 @!p0 $0x0, s1;
	[sflag:s0] =	ssyncset.done @!p0 $0x0  }
0x236: {  	[sflag:s0] =	ssyncadd.s32 @!p0 s1  }
0x237: {  	[bflag:$0x3] =	sbarrier.arrive $0xFFFF  }
0x238: {  	_ =	shalt  }

</sc_bundles>
